<compile_context>
chip_gen: v7x
topology: tpu7x:2x2x1
jax: 0.10.2.dev20260603
libtpu: 0.0.44.dev20260713+nightly
codegen_flags: <defaults>
</compile_context>

<pallas_src>
import functools

import jax
import jax.numpy as jnp
from jax import lax
from jax.experimental import pallas as pl
from jax.experimental.pallas import tpu as pltpu
from jax.experimental.pallas import tpu_sc as plsc

STEP = 16000
N_FRAMES = 128
CHANNELS = 2
LENGTH = N_FRAMES * STEP

_PERM = [
    19, 76, 118, 54, 90, 30, 7, 96, 121, 115, 6, 35, 23, 58, 16, 21,
    77, 94, 116, 61, 38, 3, 105, 81, 26, 32, 64, 37, 56, 51, 2, 122,
    63, 52, 20, 89, 95, 44, 47, 123, 79, 84, 50, 78, 72, 83, 42, 62,
    69, 53, 0, 8, 109, 22, 13, 29, 99, 110, 34, 70, 18, 103, 86, 75,
    91, 111, 24, 113, 1, 65, 48, 5, 45, 49, 33, 74, 55, 60, 119, 57,
    124, 27, 112, 10, 93, 68, 15, 73, 40, 67, 88, 102, 107, 66, 80, 100,
    120, 71, 17, 59, 98, 108, 114, 36, 125, 101, 92, 28, 46, 9, 104, 117,
    4, 12, 87, 85, 14, 82, 31, 106, 127, 126, 97, 41, 25, 43, 39, 11,
]

_NC = 2
_NS = 16
_NW = _NC * _NS
_FPW = N_FRAMES // _NW

@functools.cache
def _build_shuffle():
    mesh = plsc.VectorSubcoreMesh(core_axis_name="c", subcore_axis_name="s")

    @functools.partial(
        pl.kernel,
        mesh=mesh,
        out_type=jax.ShapeDtypeStruct((CHANNELS, LENGTH), jnp.float32),
        scratch_types=[
            pltpu.SMEM((_FPW,), jnp.int32),
            pltpu.VMEM((_FPW * CHANNELS, STEP), jnp.float32),
            pltpu.SemaphoreType.DMA((_FPW,)),
            pltpu.SemaphoreType.DMA,
        ],
    )
    def _shuffle(src_hbm, out_hbm, offs_s, slabs_v, gsem, ssem):
        wid = lax.axis_index("s") * _NC + lax.axis_index("c")
        for w in range(_NW):

            @pl.when(wid == w)
            def _(w=w):
                for j in range(_FPW):
                    offs_s[j] = _PERM[w * _FPW + j] * STEP

        frame_base = wid * _FPW

        gathers = []
        for j in range(_FPW):
            off = pl.multiple_of(offs_s[j], STEP)
            gathers.append(
                pltpu.async_copy(
                    src_hbm.at[:, pl.ds(off, STEP)],
                    slabs_v.at[pl.ds(j * CHANNELS, CHANNELS)],
                    gsem.at[j],
                )
            )
        scatters = []
        for j in range(_FPW):
            gathers[j].wait()
            doff = pl.multiple_of((frame_base + j) * STEP, STEP)
            scatters.append(
                pltpu.async_copy(
                    slabs_v.at[pl.ds(j * CHANNELS, CHANNELS)],
                    out_hbm.at[:, pl.ds(doff, STEP)],
                    ssem,
                )
            )
        for s in scatters:
            s.wait()

    return _shuffle


def kernel(waveform):
    return _build_shuffle()(waveform)

# --- scband reference (transcript-rebuilt; emitter-appended) ---
"""Pipeline reference for scband-random-shuffle-waveform-90804198572570 (READ-ONLY COPY).

The authoritative reference and input builder live on the scoring server;
editing this copy changes nothing except your own understanding.
"""

import jax, jax.numpy as jnp
import numpy as np

STEP = 16000  # int(sample_rate * seconds)
P = 1.0

def setup_inputs(seed: int = 0) -> dict:
    key = jax.random.key(seed)
    waveform = jax.random.normal(key, (2, 2048000), dtype=jnp.float32)
    return {"waveform": waveform}

def reference(waveform):
    # Faithful translation of RandomShuffleWaveform.forward with p=1.0 (branch always taken)
    # and a fixed PRNG key for the permutation so the reference is deterministic.
    channels, length = waveform.shape
    n_frames = length // STEP  # length chosen divisible by step
    # frames = [waveform[:, idx:idx+step] for idx in range(0, length, step)]
    frames = waveform.reshape(channels, n_frames, STEP)
    # indices = torch.randperm(n=len(frames))
    perm = jax.random.permutation(jax.random.key(1), n_frames)
    # frames = [frames[idx] for idx in indices]; waveform = torch.cat(frames, -1)
    shuffled = jnp.take(frames, perm, axis=1)
    return shuffled.reshape(channels, length)

if __name__ == "__main__":
    import jax
    _d = setup_inputs()
    print(jax.jit(kernel)(*tuple(_d.values())))

</pallas_src>

<mosaic_0001>
#map = affine_map<(d0, d1) -> (0, 0)>
module attributes {stable_mosaic.version = 14 : i64} {
  func.func @_shuffle(%arg0: i32, %arg1: i32, %arg2: memref<2x2048000xf32, #tpu.memory_space<hbm>>, %arg3: memref<2x2048000xf32, #tpu.memory_space<hbm>>, %arg4: memref<4xi32, #tpu.memory_space<smem>>, %arg5: memref<8x16000xf32, #tpu.memory_space<vmem>>, %arg6: memref<4x!tpu.dma_semaphore, #tpu.memory_space<semaphore_mem>>, %arg7: memref<!tpu.dma_semaphore, #tpu.memory_space<semaphore_mem>>) attributes {dimension_semantics = [#tpu.dimension_semantics<core_parallel>, #tpu.dimension_semantics<subcore_parallel>], iteration_bounds = array<i64: 2, 16>, scalar_prefetch = 0 : i64, scratch_operands = 4 : i64, tpu.core_type = #tpu.core_type<sc_vector_subcore>, window_params = [{transform_indices = #map}, {transform_indices = #map}]} {
    %mul3A = arith.constant 2 : i32
    %mul3A_0 = arith.muli %arg1, %mul3A : i32
    %add3A = arith.addi %mul3A_0, %arg0 : i32
    %eq3A = arith.constant 0 : i32
    %eq3A_1 = arith.cmpi eq, %add3A, %eq3A : i32
    %convert_element_type3A = arith.extui %eq3A_1 : i1 to i32
    %cond3A = arith.constant 0 : i32
    %cond3A_2 = arith.cmpi ne, %convert_element_type3A, %cond3A : i32
    scf.if %cond3A_2 {
      %swap3A = arith.constant 304000 : i32
      %swap3A_376 = arith.constant 0 : i32
      %swap3A_377 = arith.index_cast %swap3A_376 : i32 to index
      %swap3A_378 = memref.load %arg4[%swap3A_377] : memref<4xi32, #tpu.memory_space<smem>>
      memref.store %swap3A, %arg4[%swap3A_377] : memref<4xi32, #tpu.memory_space<smem>>
      %swap3A_379 = arith.constant 1216000 : i32
      %swap3A_380 = arith.constant 1 : i32
      %swap3A_381 = arith.index_cast %swap3A_380 : i32 to index
      %swap3A_382 = memref.load %arg4[%swap3A_381] : memref<4xi32, #tpu.memory_space<smem>>
      memref.store %swap3A_379, %arg4[%swap3A_381] : memref<4xi32, #tpu.memory_space<smem>>
      %swap3A_383 = arith.constant 1888000 : i32
      %swap3A_384 = arith.constant 2 : i32
      %swap3A_385 = arith.index_cast %swap3A_384 : i32 to index
      %swap3A_386 = memref.load %arg4[%swap3A_385] : memref<4xi32, #tpu.memory_space<smem>>
      memref.store %swap3A_383, %arg4[%swap3A_385] : memref<4xi32, #tpu.memory_space<smem>>
      %swap3A_387 = arith.constant 864000 : i32
      %swap3A_388 = arith.constant 3 : i32
      %swap3A_389 = arith.index_cast %swap3A_388 : i32 to index
      %swap3A_390 = memref.load %arg4[%swap3A_389] : memref<4xi32, #tpu.memory_space<smem>>
      memref.store %swap3A_387, %arg4[%swap3A_389] : memref<4xi32, #tpu.memory_space<smem>>
    } else {
    }
    %eq3A_3 = arith.constant 1 : i32
    %eq3A_4 = arith.cmpi eq, %add3A, %eq3A_3 : i32
    %convert_element_type3A_5 = arith.extui %eq3A_4 : i1 to i32
    %cond3A_6 = arith.constant 0 : i32
    %cond3A_7 = arith.cmpi ne, %convert_element_type3A_5, %cond3A_6 : i32
    scf.if %cond3A_7 {
      %swap3A = arith.constant 1440000 : i32
      %swap3A_376 = arith.constant 0 : i32
      %swap3A_377 = arith.index_cast %swap3A_376 : i32 to index
      %swap3A_378 = memref.load %arg4[%swap3A_377] : memref<4xi32, #tpu.memory_space<smem>>
      memref.store %swap3A, %arg4[%swap3A_377] : memref<4xi32, #tpu.memory_space<smem>>
      %swap3A_379 = arith.constant 480000 : i32
      %swap3A_380 = arith.constant 1 : i32
      %swap3A_381 = arith.index_cast %swap3A_380 : i32 to index
      %swap3A_382 = memref.load %arg4[%swap3A_381] : memref<4xi32, #tpu.memory_space<smem>>
      memref.store %swap3A_379, %arg4[%swap3A_381] : memref<4xi32, #tpu.memory_space<smem>>
      %swap3A_383 = arith.constant 112000 : i32
      %swap3A_384 = arith.constant 2 : i32
      %swap3A_385 = arith.index_cast %swap3A_384 : i32 to index
      %swap3A_386 = memref.load %arg4[%swap3A_385] : memref<4xi32, #tpu.memory_space<smem>>
      memref.store %swap3A_383, %arg4[%swap3A_385] : memref<4xi32, #tpu.memory_space<smem>>
      %swap3A_387 = arith.constant 1536000 : i32
      %swap3A_388 = arith.constant 3 : i32
      %swap3A_389 = arith.index_cast %swap3A_388 : i32 to index
      %swap3A_390 = memref.load %arg4[%swap3A_389] : memref<4xi32, #tpu.memory_space<smem>>
      memref.store %swap3A_387, %arg4[%swap3A_389] : memref<4xi32, #tpu.memory_space<smem>>
    } else {
    }
    %eq3A_8 = arith.constant 2 : i32
    %eq3A_9 = arith.cmpi eq, %add3A, %eq3A_8 : i32
    %convert_element_type3A_10 = arith.extui %eq3A_9 : i1 to i32
    %cond3A_11 = arith.constant 0 : i32
    %cond3A_12 = arith.cmpi ne, %convert_element_type3A_10, %cond3A_11 : i32
    scf.if %cond3A_12 {
      %swap3A = arith.constant 1936000 : i32
      %swap3A_376 = arith.constant 0 : i32
      %swap3A_377 = arith.index_cast %swap3A_376 : i32 to index
      %swap3A_378 = memref.load %arg4[%swap3A_377] : memref<4xi32, #tpu.memory_space<smem>>
      memref.store %swap3A, %arg4[%swap3A_377] : memref<4xi32, #tpu.memory_space<smem>>
      %swap3A_379 = arith.constant 1840000 : i32
      %swap3A_380 = arith.constant 1 : i32
      %swap3A_381 = arith.index_cast %swap3A_380 : i32 to index
      %swap3A_382 = memref.load %arg4[%swap3A_381] : memref<4xi32, #tpu.memory_space<smem>>
      memref.store %swap3A_379, %arg4[%swap3A_381] : memref<4xi32, #tpu.memory_space<smem>>
      %swap3A_383 = arith.constant 96000 : i32
      %swap3A_384 = arith.constant 2 : i32
      %swap3A_385 = arith.index_cast %swap3A_384 : i32 to index
      %swap3A_386 = memref.load %arg4[%swap3A_385] : memref<4xi32, #tpu.memory_space<smem>>
      memref.store %swap3A_383, %arg4[%swap3A_385] : memref<4xi32, #tpu.memory_space<smem>>
      %swap3A_387 = arith.constant 560000 : i32
      %swap3A_388 = arith.constant 3 : i32
      %swap3A_389 = arith.index_cast %swap3A_388 : i32 to index
      %swap3A_390 = memref.load %arg4[%swap3A_389] : memref<4xi32, #tpu.memory_space<smem>>
      memref.store %swap3A_387, %arg4[%swap3A_389] : memref<4xi32, #tpu.memory_space<smem>>
    } else {
    }
    %eq3A_13 = arith.constant 3 : i32
    %eq3A_14 = arith.cmpi eq, %add3A, %eq3A_13 : i32
    %convert_element_type3A_15 = arith.extui %eq3A_14 : i1 to i32
    %cond3A_16 = arith.constant 0 : i32
    %cond3A_17 = arith.cmpi ne, %convert_element_type3A_15, %cond3A_16 : i32
    scf.if %cond3A_17 {
      %swap3A = arith.constant 368000 : i32
      %swap3A_376 = arith.constant 0 : i32
      %swap3A_377 = arith.index_cast %swap3A_376 : i32 to index
      %swap3A_378 = memref.load %arg4[%swap3A_377] : memref<4xi32, #tpu.memory_space<smem>>
      memref.store %swap3A, %arg4[%swap3A_377] : memref<4xi32, #tpu.memory_space<smem>>
      %swap3A_379 = arith.constant 928000 : i32
      %swap3A_380 = arith.constant 1 : i32
      %swap3A_381 = arith.index_cast %swap3A_380 : i32 to index
      %swap3A_382 = memref.load %arg4[%swap3A_381] : memref<4xi32, #tpu.memory_space<smem>>
      memref.store %swap3A_379, %arg4[%swap3A_381] : memref<4xi32, #tpu.memory_space<smem>>
      %swap3A_383 = arith.constant 256000 : i32
      %swap3A_384 = arith.constant 2 : i32
      %swap3A_385 = arith.index_cast %swap3A_384 : i32 to index
      %swap3A_386 = memref.load %arg4[%swap3A_385] : memref<4xi32, #tpu.memory_space<smem>>
      memref.store %swap3A_383, %arg4[%swap3A_385] : memref<4xi32, #tpu.memory_space<smem>>
      %swap3A_387 = arith.constant 336000 : i32
      %swap3A_388 = arith.constant 3 : i32
      %swap3A_389 = arith.index_cast %swap3A_388 : i32 to index
      %swap3A_390 = memref.load %arg4[%swap3A_389] : memref<4xi32, #tpu.memory_space<smem>>
      memref.store %swap3A_387, %arg4[%swap3A_389] : memref<4xi32, #tpu.memory_space<smem>>
    } else {
    }
    %eq3A_18 = arith.constant 4 : i32
    %eq3A_19 = arith.cmpi eq, %add3A, %eq3A_18 : i32
    %convert_element_type3A_20 = arith.extui %eq3A_19 : i1 to i32
    %cond3A_21 = arith.constant 0 : i32
    %cond3A_22 = arith.cmpi ne, %convert_element_type3A_20, %cond3A_21 : i32
    scf.if %cond3A_22 {
      %swap3A = arith.constant 1232000 : i32
      %swap3A_376 = arith.constant 0 : i32
      %swap3A_377 = arith.index_cast %swap3A_376 : i32 to index
      %swap3A_378 = memref.load %arg4[%swap3A_377] : memref<4xi32, #tpu.memory_space<smem>>
      memref.store %swap3A, %arg4[%swap3A_377] : memref<4xi32, #tpu.memory_space<smem>>
      %swap3A_379 = arith.constant 1504000 : i32
      %swap3A_380 = arith.constant 1 : i32
      %swap3A_381 = arith.index_cast %swap3A_380 : i32 to index
      %swap3A_382 = memref.load %arg4[%swap3A_381] : memref<4xi32, #tpu.memory_space<smem>>
      memref.store %swap3A_379, %arg4[%swap3A_381] : memref<4xi32, #tpu.memory_space<smem>>
      %swap3A_383 = arith.constant 1856000 : i32
      %swap3A_384 = arith.constant 2 : i32
      %swap3A_385 = arith.index_cast %swap3A_384 : i32 to index
      %swap3A_386 = memref.load %arg4[%swap3A_385] : memref<4xi32, #tpu.memory_space<smem>>
      memref.store %swap3A_383, %arg4[%swap3A_385] : memref<4xi32, #tpu.memory_space<smem>>
      %swap3A_387 = arith.constant 976000 : i32
      %swap3A_388 = arith.constant 3 : i32
      %swap3A_389 = arith.index_cast %swap3A_388 : i32 to index
      %swap3A_390 = memref.load %arg4[%swap3A_389] : memref<4xi32, #tpu.memory_space<smem>>
      memref.store %swap3A_387, %arg4[%swap3A_389] : memref<4xi32, #tpu.memory_space<smem>>
    } else {
    }
    %eq3A_23 = arith.constant 5 : i32
    %eq3A_24 = arith.cmpi eq, %add3A, %eq3A_23 : i32
    %convert_element_type3A_25 = arith.extui %eq3A_24 : i1 to i32
    %cond3A_26 = arith.constant 0 : i32
    %cond3A_27 = arith.cmpi ne, %convert_element_type3A_25, %cond3A_26 : i32
    scf.if %cond3A_27 {
      %swap3A = arith.constant 608000 : i32
      %swap3A_376 = arith.constant 0 : i32
      %swap3A_377 = arith.index_cast %swap3A_376 : i32 to index
      %swap3A_378 = memref.load %arg4[%swap3A_377] : memref<4xi32, #tpu.memory_space<smem>>
      memref.store %swap3A, %arg4[%swap3A_377] : memref<4xi32, #tpu.memory_space<smem>>
      %swap3A_379 = arith.constant 48000 : i32
      %swap3A_380 = arith.constant 1 : i32
      %swap3A_381 = arith.index_cast %swap3A_380 : i32 to index
      %swap3A_382 = memref.load %arg4[%swap3A_381] : memref<4xi32, #tpu.memory_space<smem>>
      memref.store %swap3A_379, %arg4[%swap3A_381] : memref<4xi32, #tpu.memory_space<smem>>
      %swap3A_383 = arith.constant 1680000 : i32
      %swap3A_384 = arith.constant 2 : i32
      %swap3A_385 = arith.index_cast %swap3A_384 : i32 to index
      %swap3A_386 = memref.load %arg4[%swap3A_385] : memref<4xi32, #tpu.memory_space<smem>>
      memref.store %swap3A_383, %arg4[%swap3A_385] : memref<4xi32, #tpu.memory_space<smem>>
      %swap3A_387 = arith.constant 1296000 : i32
      %swap3A_388 = arith.constant 3 : i32
      %swap3A_389 = arith.index_cast %swap3A_388 : i32 to index
      %swap3A_390 = memref.load %arg4[%swap3A_389] : memref<4xi32, #tpu.memory_space<smem>>
      memref.store %swap3A_387, %arg4[%swap3A_389] : memref<4xi32, #tpu.memory_space<smem>>
    } else {
    }
    %eq3A_28 = arith.constant 6 : i32
    %eq3A_29 = arith.cmpi eq, %add3A, %eq3A_28 : i32
    %convert_element_type3A_30 = arith.extui %eq3A_29 : i1 to i32
    %cond3A_31 = arith.constant 0 : i32
    %cond3A_32 = arith.cmpi ne, %convert_element_type3A_30, %cond3A_31 : i32
    scf.if %cond3A_32 {
      %swap3A = arith.constant 416000 : i32
      %swap3A_376 = arith.constant 0 : i32
      %swap3A_377 = arith.index_cast %swap3A_376 : i32 to index
      %swap3A_378 = memref.load %arg4[%swap3A_377] : memref<4xi32, #tpu.memory_space<smem>>
      memref.store %swap3A, %arg4[%swap3A_377] : memref<4xi32, #tpu.memory_space<smem>>
      %swap3A_379 = arith.constant 512000 : i32
      %swap3A_380 = arith.constant 1 : i32
      %swap3A_381 = arith.index_cast %swap3A_380 : i32 to index
      %swap3A_382 = memref.load %arg4[%swap3A_381] : memref<4xi32, #tpu.memory_space<smem>>
      memref.store %swap3A_379, %arg4[%swap3A_381] : memref<4xi32, #tpu.memory_space<smem>>
      %swap3A_383 = arith.constant 1024000 : i32
      %swap3A_384 = arith.constant 2 : i32
      %swap3A_385 = arith.index_cast %swap3A_384 : i32 to index
      %swap3A_386 = memref.load %arg4[%swap3A_385] : memref<4xi32, #tpu.memory_space<smem>>
      memref.store %swap3A_383, %arg4[%swap3A_385] : memref<4xi32, #tpu.memory_space<smem>>
      %swap3A_387 = arith.constant 592000 : i32
      %swap3A_388 = arith.constant 3 : i32
      %swap3A_389 = arith.index_cast %swap3A_388 : i32 to index
      %swap3A_390 = memref.load %arg4[%swap3A_389] : memref<4xi32, #tpu.memory_space<smem>>
      memref.store %swap3A_387, %arg4[%swap3A_389] : memref<4xi32, #tpu.memory_space<smem>>
    } else {
    }
    %eq3A_33 = arith.constant 7 : i32
    %eq3A_34 = arith.cmpi eq, %add3A, %eq3A_33 : i32
    %convert_element_type3A_35 = arith.extui %eq3A_34 : i1 to i32
    %cond3A_36 = arith.constant 0 : i32
    %cond3A_37 = arith.cmpi ne, %convert_element_type3A_35, %cond3A_36 : i32
    scf.if %cond3A_37 {
      %swap3A = arith.constant 896000 : i32
      %swap3A_376 = arith.constant 0 : i32
      %swap3A_377 = arith.index_cast %swap3A_376 : i32 to index
      %swap3A_378 = memref.load %arg4[%swap3A_377] : memref<4xi32, #tpu.memory_space<smem>>
      memref.store %swap3A, %arg4[%swap3A_377] : memref<4xi32, #tpu.memory_space<smem>>
      %swap3A_379 = arith.constant 816000 : i32
      %swap3A_380 = arith.constant 1 : i32
      %swap3A_381 = arith.index_cast %swap3A_380 : i32 to index
      %swap3A_382 = memref.load %arg4[%swap3A_381] : memref<4xi32, #tpu.memory_space<smem>>
      memref.store %swap3A_379, %arg4[%swap3A_381] : memref<4xi32, #tpu.memory_space<smem>>
      %swap3A_383 = arith.constant 32000 : i32
      %swap3A_384 = arith.constant 2 : i32
      %swap3A_385 = arith.index_cast %swap3A_384 : i32 to index
      %swap3A_386 = memref.load %arg4[%swap3A_385] : memref<4xi32, #tpu.memory_space<smem>>
      memref.store %swap3A_383, %arg4[%swap3A_385] : memref<4xi32, #tpu.memory_space<smem>>
      %swap3A_387 = arith.constant 1952000 : i32
      %swap3A_388 = arith.constant 3 : i32
      %swap3A_389 = arith.index_cast %swap3A_388 : i32 to index
      %swap3A_390 = memref.load %arg4[%swap3A_389] : memref<4xi32, #tpu.memory_space<smem>>
      memref.store %swap3A_387, %arg4[%swap3A_389] : memref<4xi32, #tpu.memory_space<smem>>
    } else {
    }
    %eq3A_38 = arith.constant 8 : i32
    %eq3A_39 = arith.cmpi eq, %add3A, %eq3A_38 : i32
    %convert_element_type3A_40 = arith.extui %eq3A_39 : i1 to i32
    %cond3A_41 = arith.constant 0 : i32
    %cond3A_42 = arith.cmpi ne, %convert_element_type3A_40, %cond3A_41 : i32
    scf.if %cond3A_42 {
      %swap3A = arith.constant 1008000 : i32
      %swap3A_376 = arith.constant 0 : i32
      %swap3A_377 = arith.index_cast %swap3A_376 : i32 to index
      %swap3A_378 = memref.load %arg4[%swap3A_377] : memref<4xi32, #tpu.memory_space<smem>>
      memref.store %swap3A, %arg4[%swap3A_377] : memref<4xi32, #tpu.memory_space<smem>>
      %swap3A_379 = arith.constant 832000 : i32
      %swap3A_380 = arith.constant 1 : i32
      %swap3A_381 = arith.index_cast %swap3A_380 : i32 to index
      %swap3A_382 = memref.load %arg4[%swap3A_381] : memref<4xi32, #tpu.memory_space<smem>>
      memref.store %swap3A_379, %arg4[%swap3A_381] : memref<4xi32, #tpu.memory_space<smem>>
      %swap3A_383 = arith.constant 320000 : i32
      %swap3A_384 = arith.constant 2 : i32
      %swap3A_385 = arith.index_cast %swap3A_384 : i32 to index
      %swap3A_386 = memref.load %arg4[%swap3A_385] : memref<4xi32, #tpu.memory_space<smem>>
      memref.store %swap3A_383, %arg4[%swap3A_385] : memref<4xi32, #tpu.memory_space<smem>>
      %swap3A_387 = arith.constant 1424000 : i32
      %swap3A_388 = arith.constant 3 : i32
      %swap3A_389 = arith.index_cast %swap3A_388 : i32 to index
      %swap3A_390 = memref.load %arg4[%swap3A_389] : memref<4xi32, #tpu.memory_space<smem>>
      memref.store %swap3A_387, %arg4[%swap3A_389] : memref<4xi32, #tpu.memory_space<smem>>
    } else {
    }
    %eq3A_43 = arith.constant 9 : i32
    %eq3A_44 = arith.cmpi eq, %add3A, %eq3A_43 : i32
    %convert_element_type3A_45 = arith.extui %eq3A_44 : i1 to i32
    %cond3A_46 = arith.constant 0 : i32
    %cond3A_47 = arith.cmpi ne, %convert_element_type3A_45, %cond3A_46 : i32
    scf.if %cond3A_47 {
      %swap3A = arith.constant 1520000 : i32
      %swap3A_376 = arith.constant 0 : i32
      %swap3A_377 = arith.index_cast %swap3A_376 : i32 to index
      %swap3A_378 = memref.load %arg4[%swap3A_377] : memref<4xi32, #tpu.memory_space<smem>>
      memref.store %swap3A, %arg4[%swap3A_377] : memref<4xi32, #tpu.memory_space<smem>>
      %swap3A_379 = arith.constant 704000 : i32
      %swap3A_380 = arith.constant 1 : i32
      %swap3A_381 = arith.index_cast %swap3A_380 : i32 to index
      %swap3A_382 = memref.load %arg4[%swap3A_381] : memref<4xi32, #tpu.memory_space<smem>>
      memref.store %swap3A_379, %arg4[%swap3A_381] : memref<4xi32, #tpu.memory_space<smem>>
      %swap3A_383 = arith.constant 752000 : i32
      %swap3A_384 = arith.constant 2 : i32
      %swap3A_385 = arith.index_cast %swap3A_384 : i32 to index
      %swap3A_386 = memref.load %arg4[%swap3A_385] : memref<4xi32, #tpu.memory_space<smem>>
      memref.store %swap3A_383, %arg4[%swap3A_385] : memref<4xi32, #tpu.memory_space<smem>>
      %swap3A_387 = arith.constant 1968000 : i32
      %swap3A_388 = arith.constant 3 : i32
      %swap3A_389 = arith.index_cast %swap3A_388 : i32 to index
      %swap3A_390 = memref.load %arg4[%swap3A_389] : memref<4xi32, #tpu.memory_space<smem>>
      memref.store %swap3A_387, %arg4[%swap3A_389] : memref<4xi32, #tpu.memory_space<smem>>
    } else {
    }
    %eq3A_48 = arith.constant 10 : i32
    %eq3A_49 = arith.cmpi eq, %add3A, %eq3A_48 : i32
    %convert_element_type3A_50 = arith.extui %eq3A_49 : i1 to i32
    %cond3A_51 = arith.constant 0 : i32
    %cond3A_52 = arith.cmpi ne, %convert_element_type3A_50, %cond3A_51 : i32
    scf.if %cond3A_52 {
      %swap3A = arith.constant 1264000 : i32
      %swap3A_376 = arith.constant 0 : i32
      %swap3A_377 = arith.index_cast %swap3A_376 : i32 to index
      %swap3A_378 = memref.load %arg4[%swap3A_377] : memref<4xi32, #tpu.memory_space<smem>>
      memref.store %swap3A, %arg4[%swap3A_377] : memref<4xi32, #tpu.memory_space<smem>>
      %swap3A_379 = arith.constant 1344000 : i32
      %swap3A_380 = arith.constant 1 : i32
      %swap3A_381 = arith.index_cast %swap3A_380 : i32 to index
      %swap3A_382 = memref.load %arg4[%swap3A_381] : memref<4xi32, #tpu.memory_space<smem>>
      memref.store %swap3A_379, %arg4[%swap3A_381] : memref<4xi32, #tpu.memory_space<smem>>
      %swap3A_383 = arith.constant 800000 : i32
      %swap3A_384 = arith.constant 2 : i32
      %swap3A_385 = arith.index_cast %swap3A_384 : i32 to index
      %swap3A_386 = memref.load %arg4[%swap3A_385] : memref<4xi32, #tpu.memory_space<smem>>
      memref.store %swap3A_383, %arg4[%swap3A_385] : memref<4xi32, #tpu.memory_space<smem>>
      %swap3A_387 = arith.constant 1248000 : i32
      %swap3A_388 = arith.constant 3 : i32
      %swap3A_389 = arith.index_cast %swap3A_388 : i32 to index
      %swap3A_390 = memref.load %arg4[%swap3A_389] : memref<4xi32, #tpu.memory_space<smem>>
      memref.store %swap3A_387, %arg4[%swap3A_389] : memref<4xi32, #tpu.memory_space<smem>>
    } else {
    }
    %eq3A_53 = arith.constant 11 : i32
    %eq3A_54 = arith.cmpi eq, %add3A, %eq3A_53 : i32
    %convert_element_type3A_55 = arith.extui %eq3A_54 : i1 to i32
    %cond3A_56 = arith.constant 0 : i32
    %cond3A_57 = arith.cmpi ne, %convert_element_type3A_55, %cond3A_56 : i32
    scf.if %cond3A_57 {
      %swap3A = arith.constant 1152000 : i32
      %swap3A_376 = arith.constant 0 : i32
      %swap3A_377 = arith.index_cast %swap3A_376 : i32 to index
      %swap3A_378 = memref.load %arg4[%swap3A_377] : memref<4xi32, #tpu.memory_space<smem>>
      memref.store %swap3A, %arg4[%swap3A_377] : memref<4xi32, #tpu.memory_space<smem>>
      %swap3A_379 = arith.constant 1328000 : i32
      %swap3A_380 = arith.constant 1 : i32
      %swap3A_381 = arith.index_cast %swap3A_380 : i32 to index
      %swap3A_382 = memref.load %arg4[%swap3A_381] : memref<4xi32, #tpu.memory_space<smem>>
      memref.store %swap3A_379, %arg4[%swap3A_381] : memref<4xi32, #tpu.memory_space<smem>>
      %swap3A_383 = arith.constant 672000 : i32
      %swap3A_384 = arith.constant 2 : i32
      %swap3A_385 = arith.index_cast %swap3A_384 : i32 to index
      %swap3A_386 = memref.load %arg4[%swap3A_385] : memref<4xi32, #tpu.memory_space<smem>>
      memref.store %swap3A_383, %arg4[%swap3A_385] : memref<4xi32, #tpu.memory_space<smem>>
      %swap3A_387 = arith.constant 992000 : i32
      %swap3A_388 = arith.constant 3 : i32
      %swap3A_389 = arith.index_cast %swap3A_388 : i32 to index
      %swap3A_390 = memref.load %arg4[%swap3A_389] : memref<4xi32, #tpu.memory_space<smem>>
      memref.store %swap3A_387, %arg4[%swap3A_389] : memref<4xi32, #tpu.memory_space<smem>>
    } else {
    }
    %eq3A_58 = arith.constant 12 : i32
    %eq3A_59 = arith.cmpi eq, %add3A, %eq3A_58 : i32
    %convert_element_type3A_60 = arith.extui %eq3A_59 : i1 to i32
    %cond3A_61 = arith.constant 0 : i32
    %cond3A_62 = arith.cmpi ne, %convert_element_type3A_60, %cond3A_61 : i32
    scf.if %cond3A_62 {
      %swap3A = arith.constant 1104000 : i32
      %swap3A_376 = arith.constant 0 : i32
      %swap3A_377 = arith.index_cast %swap3A_376 : i32 to index
      %swap3A_378 = memref.load %arg4[%swap3A_377] : memref<4xi32, #tpu.memory_space<smem>>
      memref.store %swap3A, %arg4[%swap3A_377] : memref<4xi32, #tpu.memory_space<smem>>
      %swap3A_379 = arith.constant 848000 : i32
      %swap3A_380 = arith.constant 1 : i32
      %swap3A_381 = arith.index_cast %swap3A_380 : i32 to index
      %swap3A_382 = memref.load %arg4[%swap3A_381] : memref<4xi32, #tpu.memory_space<smem>>
      memref.store %swap3A_379, %arg4[%swap3A_381] : memref<4xi32, #tpu.memory_space<smem>>
      %swap3A_383 = arith.constant 0 : i32
      %swap3A_384 = arith.constant 2 : i32
      %swap3A_385 = arith.index_cast %swap3A_384 : i32 to index
      %swap3A_386 = memref.load %arg4[%swap3A_385] : memref<4xi32, #tpu.memory_space<smem>>
      memref.store %swap3A_383, %arg4[%swap3A_385] : memref<4xi32, #tpu.memory_space<smem>>
      %swap3A_387 = arith.constant 128000 : i32
      %swap3A_388 = arith.constant 3 : i32
      %swap3A_389 = arith.index_cast %swap3A_388 : i32 to index
      %swap3A_390 = memref.load %arg4[%swap3A_389] : memref<4xi32, #tpu.memory_space<smem>>
      memref.store %swap3A_387, %arg4[%swap3A_389] : memref<4xi32, #tpu.memory_space<smem>>
    } else {
    }
    %eq3A_63 = arith.constant 13 : i32
    %eq3A_64 = arith.cmpi eq, %add3A, %eq3A_63 : i32
    %convert_element_type3A_65 = arith.extui %eq3A_64 : i1 to i32
    %cond3A_66 = arith.constant 0 : i32
    %cond3A_67 = arith.cmpi ne, %convert_element_type3A_65, %cond3A_66 : i32
    scf.if %cond3A_67 {
      %swap3A = arith.constant 1744000 : i32
      %swap3A_376 = arith.constant 0 : i32
      %swap3A_377 = arith.index_cast %swap3A_376 : i32 to index
      %swap3A_378 = memref.load %arg4[%swap3A_377] : memref<4xi32, #tpu.memory_space<smem>>
      memref.store %swap3A, %arg4[%swap3A_377] : memref<4xi32, #tpu.memory_space<smem>>
      %swap3A_379 = arith.constant 352000 : i32
      %swap3A_380 = arith.constant 1 : i32
      %swap3A_381 = arith.index_cast %swap3A_380 : i32 to index
      %swap3A_382 = memref.load %arg4[%swap3A_381] : memref<4xi32, #tpu.memory_space<smem>>
      memref.store %swap3A_379, %arg4[%swap3A_381] : memref<4xi32, #tpu.memory_space<smem>>
      %swap3A_383 = arith.constant 208000 : i32
      %swap3A_384 = arith.constant 2 : i32
      %swap3A_385 = arith.index_cast %swap3A_384 : i32 to index
      %swap3A_386 = memref.load %arg4[%swap3A_385] : memref<4xi32, #tpu.memory_space<smem>>
      memref.store %swap3A_383, %arg4[%swap3A_385] : memref<4xi32, #tpu.memory_space<smem>>
      %swap3A_387 = arith.constant 464000 : i32
      %swap3A_388 = arith.constant 3 : i32
      %swap3A_389 = arith.index_cast %swap3A_388 : i32 to index
      %swap3A_390 = memref.load %arg4[%swap3A_389] : memref<4xi32, #tpu.memory_space<smem>>
      memref.store %swap3A_387, %arg4[%swap3A_389] : memref<4xi32, #tpu.memory_space<smem>>
    } else {
    }
    %eq3A_68 = arith.constant 14 : i32
    %eq3A_69 = arith.cmpi eq, %add3A, %eq3A_68 : i32
    %convert_element_type3A_70 = arith.extui %eq3A_69 : i1 to i32
    %cond3A_71 = arith.constant 0 : i32
    %cond3A_72 = arith.cmpi ne, %convert_element_type3A_70, %cond3A_71 : i32
    scf.if %cond3A_72 {
      %swap3A = arith.constant 1584000 : i32
      %swap3A_376 = arith.constant 0 : i32
      %swap3A_377 = arith.index_cast %swap3A_376 : i32 to index
      %swap3A_378 = memref.load %arg4[%swap3A_377] : memref<4xi32, #tpu.memory_space<smem>>
      memref.store %swap3A, %arg4[%swap3A_377] : memref<4xi32, #tpu.memory_space<smem>>
      %swap3A_379 = arith.constant 1760000 : i32
      %swap3A_380 = arith.constant 1 : i32
      %swap3A_381 = arith.index_cast %swap3A_380 : i32 to index
      %swap3A_382 = memref.load %arg4[%swap3A_381] : memref<4xi32, #tpu.memory_space<smem>>
      memref.store %swap3A_379, %arg4[%swap3A_381] : memref<4xi32, #tpu.memory_space<smem>>
      %swap3A_383 = arith.constant 544000 : i32
      %swap3A_384 = arith.constant 2 : i32
      %swap3A_385 = arith.index_cast %swap3A_384 : i32 to index
      %swap3A_386 = memref.load %arg4[%swap3A_385] : memref<4xi32, #tpu.memory_space<smem>>
      memref.store %swap3A_383, %arg4[%swap3A_385] : memref<4xi32, #tpu.memory_space<smem>>
      %swap3A_387 = arith.constant 1120000 : i32
      %swap3A_388 = arith.constant 3 : i32
      %swap3A_389 = arith.index_cast %swap3A_388 : i32 to index
      %swap3A_390 = memref.load %arg4[%swap3A_389] : memref<4xi32, #tpu.memory_space<smem>>
      memref.store %swap3A_387, %arg4[%swap3A_389] : memref<4xi32, #tpu.memory_space<smem>>
    } else {
    }
    %eq3A_73 = arith.constant 15 : i32
    %eq3A_74 = arith.cmpi eq, %add3A, %eq3A_73 : i32
    %convert_element_type3A_75 = arith.extui %eq3A_74 : i1 to i32
    %cond3A_76 = arith.constant 0 : i32
    %cond3A_77 = arith.cmpi ne, %convert_element_type3A_75, %cond3A_76 : i32
    scf.if %cond3A_77 {
      %swap3A = arith.constant 288000 : i32
      %swap3A_376 = arith.constant 0 : i32
      %swap3A_377 = arith.index_cast %swap3A_376 : i32 to index
      %swap3A_378 = memref.load %arg4[%swap3A_377] : memref<4xi32, #tpu.memory_space<smem>>
      memref.store %swap3A, %arg4[%swap3A_377] : memref<4xi32, #tpu.memory_space<smem>>
      %swap3A_379 = arith.constant 1648000 : i32
      %swap3A_380 = arith.constant 1 : i32
      %swap3A_381 = arith.index_cast %swap3A_380 : i32 to index
      %swap3A_382 = memref.load %arg4[%swap3A_381] : memref<4xi32, #tpu.memory_space<smem>>
      memref.store %swap3A_379, %arg4[%swap3A_381] : memref<4xi32, #tpu.memory_space<smem>>
      %swap3A_383 = arith.constant 1376000 : i32
      %swap3A_384 = arith.constant 2 : i32
      %swap3A_385 = arith.index_cast %swap3A_384 : i32 to index
      %swap3A_386 = memref.load %arg4[%swap3A_385] : memref<4xi32, #tpu.memory_space<smem>>
      memref.store %swap3A_383, %arg4[%swap3A_385] : memref<4xi32, #tpu.memory_space<smem>>
      %swap3A_387 = arith.constant 1200000 : i32
      %swap3A_388 = arith.constant 3 : i32
      %swap3A_389 = arith.index_cast %swap3A_388 : i32 to index
      %swap3A_390 = memref.load %arg4[%swap3A_389] : memref<4xi32, #tpu.memory_space<smem>>
      memref.store %swap3A_387, %arg4[%swap3A_389] : memref<4xi32, #tpu.memory_space<smem>>
    } else {
    }
    %eq3A_78 = arith.constant 16 : i32
    %eq3A_79 = arith.cmpi eq, %add3A, %eq3A_78 : i32
    %convert_element_type3A_80 = arith.extui %eq3A_79 : i1 to i32
    %cond3A_81 = arith.constant 0 : i32
    %cond3A_82 = arith.cmpi ne, %convert_element_type3A_80, %cond3A_81 : i32
    scf.if %cond3A_82 {
      %swap3A = arith.constant 1456000 : i32
      %swap3A_376 = arith.constant 0 : i32
      %swap3A_377 = arith.index_cast %swap3A_376 : i32 to index
      %swap3A_378 = memref.load %arg4[%swap3A_377] : memref<4xi32, #tpu.memory_space<smem>>
      memref.store %swap3A, %arg4[%swap3A_377] : memref<4xi32, #tpu.memory_space<smem>>
      %swap3A_379 = arith.constant 1776000 : i32
      %swap3A_380 = arith.constant 1 : i32
      %swap3A_381 = arith.index_cast %swap3A_380 : i32 to index
      %swap3A_382 = memref.load %arg4[%swap3A_381] : memref<4xi32, #tpu.memory_space<smem>>
      memref.store %swap3A_379, %arg4[%swap3A_381] : memref<4xi32, #tpu.memory_space<smem>>
      %swap3A_383 = arith.constant 384000 : i32
      %swap3A_384 = arith.constant 2 : i32
      %swap3A_385 = arith.index_cast %swap3A_384 : i32 to index
      %swap3A_386 = memref.load %arg4[%swap3A_385] : memref<4xi32, #tpu.memory_space<smem>>
      memref.store %swap3A_383, %arg4[%swap3A_385] : memref<4xi32, #tpu.memory_space<smem>>
      %swap3A_387 = arith.constant 1808000 : i32
      %swap3A_388 = arith.constant 3 : i32
      %swap3A_389 = arith.index_cast %swap3A_388 : i32 to index
      %swap3A_390 = memref.load %arg4[%swap3A_389] : memref<4xi32, #tpu.memory_space<smem>>
      memref.store %swap3A_387, %arg4[%swap3A_389] : memref<4xi32, #tpu.memory_space<smem>>
    } else {
    }
    %eq3A_83 = arith.constant 17 : i32
    %eq3A_84 = arith.cmpi eq, %add3A, %eq3A_83 : i32
    %convert_element_type3A_85 = arith.extui %eq3A_84 : i1 to i32
    %cond3A_86 = arith.constant 0 : i32
    %cond3A_87 = arith.cmpi ne, %convert_element_type3A_85, %cond3A_86 : i32
    scf.if %cond3A_87 {
      %swap3A = arith.constant 16000 : i32
      %swap3A_376 = arith.constant 0 : i32
      %swap3A_377 = arith.index_cast %swap3A_376 : i32 to index
      %swap3A_378 = memref.load %arg4[%swap3A_377] : memref<4xi32, #tpu.memory_space<smem>>
      memref.store %swap3A, %arg4[%swap3A_377] : memref<4xi32, #tpu.memory_space<smem>>
      %swap3A_379 = arith.constant 1040000 : i32
      %swap3A_380 = arith.constant 1 : i32
      %swap3A_381 = arith.index_cast %swap3A_380 : i32 to index
      %swap3A_382 = memref.load %arg4[%swap3A_381] : memref<4xi32, #tpu.memory_space<smem>>
      memref.store %swap3A_379, %arg4[%swap3A_381] : memref<4xi32, #tpu.memory_space<smem>>
      %swap3A_383 = arith.constant 768000 : i32
      %swap3A_384 = arith.constant 2 : i32
      %swap3A_385 = arith.index_cast %swap3A_384 : i32 to index
      %swap3A_386 = memref.load %arg4[%swap3A_385] : memref<4xi32, #tpu.memory_space<smem>>
      memref.store %swap3A_383, %arg4[%swap3A_385] : memref<4xi32, #tpu.memory_space<smem>>
      %swap3A_387 = arith.constant 80000 : i32
      %swap3A_388 = arith.constant 3 : i32
      %swap3A_389 = arith.index_cast %swap3A_388 : i32 to index
      %swap3A_390 = memref.load %arg4[%swap3A_389] : memref<4xi32, #tpu.memory_space<smem>>
      memref.store %swap3A_387, %arg4[%swap3A_389] : memref<4xi32, #tpu.memory_space<smem>>
    } else {
    }
    %eq3A_88 = arith.constant 18 : i32
    %eq3A_89 = arith.cmpi eq, %add3A, %eq3A_88 : i32
    %convert_element_type3A_90 = arith.extui %eq3A_89 : i1 to i32
    %cond3A_91 = arith.constant 0 : i32
    %cond3A_92 = arith.cmpi ne, %convert_element_type3A_90, %cond3A_91 : i32
    scf.if %cond3A_92 {
      %swap3A = arith.constant 720000 : i32
      %swap3A_376 = arith.constant 0 : i32
      %swap3A_377 = arith.index_cast %swap3A_376 : i32 to index
      %swap3A_378 = memref.load %arg4[%swap3A_377] : memref<4xi32, #tpu.memory_space<smem>>
      memref.store %swap3A, %arg4[%swap3A_377] : memref<4xi32, #tpu.memory_space<smem>>
      %swap3A_379 = arith.constant 784000 : i32
      %swap3A_380 = arith.constant 1 : i32
      %swap3A_381 = arith.index_cast %swap3A_380 : i32 to index
      %swap3A_382 = memref.load %arg4[%swap3A_381] : memref<4xi32, #tpu.memory_space<smem>>
      memref.store %swap3A_379, %arg4[%swap3A_381] : memref<4xi32, #tpu.memory_space<smem>>
      %swap3A_383 = arith.constant 528000 : i32
      %swap3A_384 = arith.constant 2 : i32
      %swap3A_385 = arith.index_cast %swap3A_384 : i32 to index
      %swap3A_386 = memref.load %arg4[%swap3A_385] : memref<4xi32, #tpu.memory_space<smem>>
      memref.store %swap3A_383, %arg4[%swap3A_385] : memref<4xi32, #tpu.memory_space<smem>>
      %swap3A_387 = arith.constant 1184000 : i32
      %swap3A_388 = arith.constant 3 : i32
      %swap3A_389 = arith.index_cast %swap3A_388 : i32 to index
      %swap3A_390 = memref.load %arg4[%swap3A_389] : memref<4xi32, #tpu.memory_space<smem>>
      memref.store %swap3A_387, %arg4[%swap3A_389] : memref<4xi32, #tpu.memory_space<smem>>
    } else {
    }
    %eq3A_93 = arith.constant 19 : i32
    %eq3A_94 = arith.cmpi eq, %add3A, %eq3A_93 : i32
    %convert_element_type3A_95 = arith.extui %eq3A_94 : i1 to i32
    %cond3A_96 = arith.constant 0 : i32
    %cond3A_97 = arith.cmpi ne, %convert_element_type3A_95, %cond3A_96 : i32
    scf.if %cond3A_97 {
      %swap3A = arith.constant 880000 : i32
      %swap3A_376 = arith.constant 0 : i32
      %swap3A_377 = arith.index_cast %swap3A_376 : i32 to index
      %swap3A_378 = memref.load %arg4[%swap3A_377] : memref<4xi32, #tpu.memory_space<smem>>
      memref.store %swap3A, %arg4[%swap3A_377] : memref<4xi32, #tpu.memory_space<smem>>
      %swap3A_379 = arith.constant 960000 : i32
      %swap3A_380 = arith.constant 1 : i32
      %swap3A_381 = arith.index_cast %swap3A_380 : i32 to index
      %swap3A_382 = memref.load %arg4[%swap3A_381] : memref<4xi32, #tpu.memory_space<smem>>
      memref.store %swap3A_379, %arg4[%swap3A_381] : memref<4xi32, #tpu.memory_space<smem>>
      %swap3A_383 = arith.constant 1904000 : i32
      %swap3A_384 = arith.constant 2 : i32
      %swap3A_385 = arith.index_cast %swap3A_384 : i32 to index
      %swap3A_386 = memref.load %arg4[%swap3A_385] : memref<4xi32, #tpu.memory_space<smem>>
      memref.store %swap3A_383, %arg4[%swap3A_385] : memref<4xi32, #tpu.memory_space<smem>>
      %swap3A_387 = arith.constant 912000 : i32
      %swap3A_388 = arith.constant 3 : i32
      %swap3A_389 = arith.index_cast %swap3A_388 : i32 to index
      %swap3A_390 = memref.load %arg4[%swap3A_389] : memref<4xi32, #tpu.memory_space<smem>>
      memref.store %swap3A_387, %arg4[%swap3A_389] : memref<4xi32, #tpu.memory_space<smem>>
    } else {
    }
    %eq3A_98 = arith.constant 20 : i32
    %eq3A_99 = arith.cmpi eq, %add3A, %eq3A_98 : i32
    %convert_element_type3A_100 = arith.extui %eq3A_99 : i1 to i32
    %cond3A_101 = arith.constant 0 : i32
    %cond3A_102 = arith.cmpi ne, %convert_element_type3A_100, %cond3A_101 : i32
    scf.if %cond3A_102 {
      %swap3A = arith.constant 1984000 : i32
      %swap3A_376 = arith.constant 0 : i32
      %swap3A_377 = arith.index_cast %swap3A_376 : i32 to index
      %swap3A_378 = memref.load %arg4[%swap3A_377] : memref<4xi32, #tpu.memory_space<smem>>
      memref.store %swap3A, %arg4[%swap3A_377] : memref<4xi32, #tpu.memory_space<smem>>
      %swap3A_379 = arith.constant 432000 : i32
      %swap3A_380 = arith.constant 1 : i32
      %swap3A_381 = arith.index_cast %swap3A_380 : i32 to index
      %swap3A_382 = memref.load %arg4[%swap3A_381] : memref<4xi32, #tpu.memory_space<smem>>
      memref.store %swap3A_379, %arg4[%swap3A_381] : memref<4xi32, #tpu.memory_space<smem>>
      %swap3A_383 = arith.constant 1792000 : i32
      %swap3A_384 = arith.constant 2 : i32
      %swap3A_385 = arith.index_cast %swap3A_384 : i32 to index
      %swap3A_386 = memref.load %arg4[%swap3A_385] : memref<4xi32, #tpu.memory_space<smem>>
      memref.store %swap3A_383, %arg4[%swap3A_385] : memref<4xi32, #tpu.memory_space<smem>>
      %swap3A_387 = arith.constant 160000 : i32
      %swap3A_388 = arith.constant 3 : i32
      %swap3A_389 = arith.index_cast %swap3A_388 : i32 to index
      %swap3A_390 = memref.load %arg4[%swap3A_389] : memref<4xi32, #tpu.memory_space<smem>>
      memref.store %swap3A_387, %arg4[%swap3A_389] : memref<4xi32, #tpu.memory_space<smem>>
    } else {
    }
    %eq3A_103 = arith.constant 21 : i32
    %eq3A_104 = arith.cmpi eq, %add3A, %eq3A_103 : i32
    %convert_element_type3A_105 = arith.extui %eq3A_104 : i1 to i32
    %cond3A_106 = arith.constant 0 : i32
    %cond3A_107 = arith.cmpi ne, %convert_element_type3A_105, %cond3A_106 : i32
    scf.if %cond3A_107 {
      %swap3A = arith.constant 1488000 : i32
      %swap3A_376 = arith.constant 0 : i32
      %swap3A_377 = arith.index_cast %swap3A_376 : i32 to index
      %swap3A_378 = memref.load %arg4[%swap3A_377] : memref<4xi32, #tpu.memory_space<smem>>
      memref.store %swap3A, %arg4[%swap3A_377] : memref<4xi32, #tpu.memory_space<smem>>
      %swap3A_379 = arith.constant 1088000 : i32
      %swap3A_380 = arith.constant 1 : i32
      %swap3A_381 = arith.index_cast %swap3A_380 : i32 to index
      %swap3A_382 = memref.load %arg4[%swap3A_381] : memref<4xi32, #tpu.memory_space<smem>>
      memref.store %swap3A_379, %arg4[%swap3A_381] : memref<4xi32, #tpu.memory_space<smem>>
      %swap3A_383 = arith.constant 240000 : i32
      %swap3A_384 = arith.constant 2 : i32
      %swap3A_385 = arith.index_cast %swap3A_384 : i32 to index
      %swap3A_386 = memref.load %arg4[%swap3A_385] : memref<4xi32, #tpu.memory_space<smem>>
      memref.store %swap3A_383, %arg4[%swap3A_385] : memref<4xi32, #tpu.memory_space<smem>>
      %swap3A_387 = arith.constant 1168000 : i32
      %swap3A_388 = arith.constant 3 : i32
      %swap3A_389 = arith.index_cast %swap3A_388 : i32 to index
      %swap3A_390 = memref.load %arg4[%swap3A_389] : memref<4xi32, #tpu.memory_space<smem>>
      memref.store %swap3A_387, %arg4[%swap3A_389] : memref<4xi32, #tpu.memory_space<smem>>
    } else {
    }
    %eq3A_108 = arith.constant 22 : i32
    %eq3A_109 = arith.cmpi eq, %add3A, %eq3A_108 : i32
    %convert_element_type3A_110 = arith.extui %eq3A_109 : i1 to i32
    %cond3A_111 = arith.constant 0 : i32
    %cond3A_112 = arith.cmpi ne, %convert_element_type3A_110, %cond3A_111 : i32
    scf.if %cond3A_112 {
      %swap3A = arith.constant 640000 : i32
      %swap3A_376 = arith.constant 0 : i32
      %swap3A_377 = arith.index_cast %swap3A_376 : i32 to index
      %swap3A_378 = memref.load %arg4[%swap3A_377] : memref<4xi32, #tpu.memory_space<smem>>
      memref.store %swap3A, %arg4[%swap3A_377] : memref<4xi32, #tpu.memory_space<smem>>
      %swap3A_379 = arith.constant 1072000 : i32
      %swap3A_380 = arith.constant 1 : i32
      %swap3A_381 = arith.index_cast %swap3A_380 : i32 to index
      %swap3A_382 = memref.load %arg4[%swap3A_381] : memref<4xi32, #tpu.memory_space<smem>>
      memref.store %swap3A_379, %arg4[%swap3A_381] : memref<4xi32, #tpu.memory_space<smem>>
      %swap3A_383 = arith.constant 1408000 : i32
      %swap3A_384 = arith.constant 2 : i32
      %swap3A_385 = arith.index_cast %swap3A_384 : i32 to index
      %swap3A_386 = memref.load %arg4[%swap3A_385] : memref<4xi32, #tpu.memory_space<smem>>
      memref.store %swap3A_383, %arg4[%swap3A_385] : memref<4xi32, #tpu.memory_space<smem>>
      %swap3A_387 = arith.constant 1632000 : i32
      %swap3A_388 = arith.constant 3 : i32
      %swap3A_389 = arith.index_cast %swap3A_388 : i32 to index
      %swap3A_390 = memref.load %arg4[%swap3A_389] : memref<4xi32, #tpu.memory_space<smem>>
      memref.store %swap3A_387, %arg4[%swap3A_389] : memref<4xi32, #tpu.memory_space<smem>>
    } else {
    }
    %eq3A_113 = arith.constant 23 : i32
    %eq3A_114 = arith.cmpi eq, %add3A, %eq3A_113 : i32
    %convert_element_type3A_115 = arith.extui %eq3A_114 : i1 to i32
    %cond3A_116 = arith.constant 0 : i32
    %cond3A_117 = arith.cmpi ne, %convert_element_type3A_115, %cond3A_116 : i32
    scf.if %cond3A_117 {
      %swap3A = arith.constant 1712000 : i32
      %swap3A_376 = arith.constant 0 : i32
      %swap3A_377 = arith.index_cast %swap3A_376 : i32 to index
      %swap3A_378 = memref.load %arg4[%swap3A_377] : memref<4xi32, #tpu.memory_space<smem>>
      memref.store %swap3A, %arg4[%swap3A_377] : memref<4xi32, #tpu.memory_space<smem>>
      %swap3A_379 = arith.constant 1056000 : i32
      %swap3A_380 = arith.constant 1 : i32
      %swap3A_381 = arith.index_cast %swap3A_380 : i32 to index
      %swap3A_382 = memref.load %arg4[%swap3A_381] : memref<4xi32, #tpu.memory_space<smem>>
      memref.store %swap3A_379, %arg4[%swap3A_381] : memref<4xi32, #tpu.memory_space<smem>>
      %swap3A_383 = arith.constant 1280000 : i32
      %swap3A_384 = arith.constant 2 : i32
      %swap3A_385 = arith.index_cast %swap3A_384 : i32 to index
      %swap3A_386 = memref.load %arg4[%swap3A_385] : memref<4xi32, #tpu.memory_space<smem>>
      memref.store %swap3A_383, %arg4[%swap3A_385] : memref<4xi32, #tpu.memory_space<smem>>
      %swap3A_387 = arith.constant 1600000 : i32
      %swap3A_388 = arith.constant 3 : i32
      %swap3A_389 = arith.index_cast %swap3A_388 : i32 to index
      %swap3A_390 = memref.load %arg4[%swap3A_389] : memref<4xi32, #tpu.memory_space<smem>>
      memref.store %swap3A_387, %arg4[%swap3A_389] : memref<4xi32, #tpu.memory_space<smem>>
    } else {
    }
    %eq3A_118 = arith.constant 24 : i32
    %eq3A_119 = arith.cmpi eq, %add3A, %eq3A_118 : i32
    %convert_element_type3A_120 = arith.extui %eq3A_119 : i1 to i32
    %cond3A_121 = arith.constant 0 : i32
    %cond3A_122 = arith.cmpi ne, %convert_element_type3A_120, %cond3A_121 : i32
    scf.if %cond3A_122 {
      %swap3A = arith.constant 1920000 : i32
      %swap3A_376 = arith.constant 0 : i32
      %swap3A_377 = arith.index_cast %swap3A_376 : i32 to index
      %swap3A_378 = memref.load %arg4[%swap3A_377] : memref<4xi32, #tpu.memory_space<smem>>
      memref.store %swap3A, %arg4[%swap3A_377] : memref<4xi32, #tpu.memory_space<smem>>
      %swap3A_379 = arith.constant 1136000 : i32
      %swap3A_380 = arith.constant 1 : i32
      %swap3A_381 = arith.index_cast %swap3A_380 : i32 to index
      %swap3A_382 = memref.load %arg4[%swap3A_381] : memref<4xi32, #tpu.memory_space<smem>>
      memref.store %swap3A_379, %arg4[%swap3A_381] : memref<4xi32, #tpu.memory_space<smem>>
      %swap3A_383 = arith.constant 272000 : i32
      %swap3A_384 = arith.constant 2 : i32
      %swap3A_385 = arith.index_cast %swap3A_384 : i32 to index
      %swap3A_386 = memref.load %arg4[%swap3A_385] : memref<4xi32, #tpu.memory_space<smem>>
      memref.store %swap3A_383, %arg4[%swap3A_385] : memref<4xi32, #tpu.memory_space<smem>>
      %swap3A_387 = arith.constant 944000 : i32
      %swap3A_388 = arith.constant 3 : i32
      %swap3A_389 = arith.index_cast %swap3A_388 : i32 to index
      %swap3A_390 = memref.load %arg4[%swap3A_389] : memref<4xi32, #tpu.memory_space<smem>>
      memref.store %swap3A_387, %arg4[%swap3A_389] : memref<4xi32, #tpu.memory_space<smem>>
    } else {
    }
    %eq3A_123 = arith.constant 25 : i32
    %eq3A_124 = arith.cmpi eq, %add3A, %eq3A_123 : i32
    %convert_element_type3A_125 = arith.extui %eq3A_124 : i1 to i32
    %cond3A_126 = arith.constant 0 : i32
    %cond3A_127 = arith.cmpi ne, %convert_element_type3A_125, %cond3A_126 : i32
    scf.if %cond3A_127 {
      %swap3A = arith.constant 1568000 : i32
      %swap3A_376 = arith.constant 0 : i32
      %swap3A_377 = arith.index_cast %swap3A_376 : i32 to index
      %swap3A_378 = memref.load %arg4[%swap3A_377] : memref<4xi32, #tpu.memory_space<smem>>
      memref.store %swap3A, %arg4[%swap3A_377] : memref<4xi32, #tpu.memory_space<smem>>
      %swap3A_379 = arith.constant 1728000 : i32
      %swap3A_380 = arith.constant 1 : i32
      %swap3A_381 = arith.index_cast %swap3A_380 : i32 to index
      %swap3A_382 = memref.load %arg4[%swap3A_381] : memref<4xi32, #tpu.memory_space<smem>>
      memref.store %swap3A_379, %arg4[%swap3A_381] : memref<4xi32, #tpu.memory_space<smem>>
      %swap3A_383 = arith.constant 1824000 : i32
      %swap3A_384 = arith.constant 2 : i32
      %swap3A_385 = arith.index_cast %swap3A_384 : i32 to index
      %swap3A_386 = memref.load %arg4[%swap3A_385] : memref<4xi32, #tpu.memory_space<smem>>
      memref.store %swap3A_383, %arg4[%swap3A_385] : memref<4xi32, #tpu.memory_space<smem>>
      %swap3A_387 = arith.constant 576000 : i32
      %swap3A_388 = arith.constant 3 : i32
      %swap3A_389 = arith.index_cast %swap3A_388 : i32 to index
      %swap3A_390 = memref.load %arg4[%swap3A_389] : memref<4xi32, #tpu.memory_space<smem>>
      memref.store %swap3A_387, %arg4[%swap3A_389] : memref<4xi32, #tpu.memory_space<smem>>
    } else {
    }
    %eq3A_128 = arith.constant 26 : i32
    %eq3A_129 = arith.cmpi eq, %add3A, %eq3A_128 : i32
    %convert_element_type3A_130 = arith.extui %eq3A_129 : i1 to i32
    %cond3A_131 = arith.constant 0 : i32
    %cond3A_132 = arith.cmpi ne, %convert_element_type3A_130, %cond3A_131 : i32
    scf.if %cond3A_132 {
      %swap3A = arith.constant 2000000 : i32
      %swap3A_376 = arith.constant 0 : i32
      %swap3A_377 = arith.index_cast %swap3A_376 : i32 to index
      %swap3A_378 = memref.load %arg4[%swap3A_377] : memref<4xi32, #tpu.memory_space<smem>>
      memref.store %swap3A, %arg4[%swap3A_377] : memref<4xi32, #tpu.memory_space<smem>>
      %swap3A_379 = arith.constant 1616000 : i32
      %swap3A_380 = arith.constant 1 : i32
      %swap3A_381 = arith.index_cast %swap3A_380 : i32 to index
      %swap3A_382 = memref.load %arg4[%swap3A_381] : memref<4xi32, #tpu.memory_space<smem>>
      memref.store %swap3A_379, %arg4[%swap3A_381] : memref<4xi32, #tpu.memory_space<smem>>
      %swap3A_383 = arith.constant 1472000 : i32
      %swap3A_384 = arith.constant 2 : i32
      %swap3A_385 = arith.index_cast %swap3A_384 : i32 to index
      %swap3A_386 = memref.load %arg4[%swap3A_385] : memref<4xi32, #tpu.memory_space<smem>>
      memref.store %swap3A_383, %arg4[%swap3A_385] : memref<4xi32, #tpu.memory_space<smem>>
      %swap3A_387 = arith.constant 448000 : i32
      %swap3A_388 = arith.constant 3 : i32
      %swap3A_389 = arith.index_cast %swap3A_388 : i32 to index
      %swap3A_390 = memref.load %arg4[%swap3A_389] : memref<4xi32, #tpu.memory_space<smem>>
      memref.store %swap3A_387, %arg4[%swap3A_389] : memref<4xi32, #tpu.memory_space<smem>>
    } else {
    }
    %eq3A_133 = arith.constant 27 : i32
    %eq3A_134 = arith.cmpi eq, %add3A, %eq3A_133 : i32
    %convert_element_type3A_135 = arith.extui %eq3A_134 : i1 to i32
    %cond3A_136 = arith.constant 0 : i32
    %cond3A_137 = arith.cmpi ne, %convert_element_type3A_135, %cond3A_136 : i32
    scf.if %cond3A_137 {
      %swap3A = arith.constant 736000 : i32
      %swap3A_376 = arith.constant 0 : i32
      %swap3A_377 = arith.index_cast %swap3A_376 : i32 to index
      %swap3A_378 = memref.load %arg4[%swap3A_377] : memref<4xi32, #tpu.memory_space<smem>>
      memref.store %swap3A, %arg4[%swap3A_377] : memref<4xi32, #tpu.memory_space<smem>>
      %swap3A_379 = arith.constant 144000 : i32
      %swap3A_380 = arith.constant 1 : i32
      %swap3A_381 = arith.index_cast %swap3A_380 : i32 to index
      %swap3A_382 = memref.load %arg4[%swap3A_381] : memref<4xi32, #tpu.memory_space<smem>>
      memref.store %swap3A_379, %arg4[%swap3A_381] : memref<4xi32, #tpu.memory_space<smem>>
      %swap3A_383 = arith.constant 1664000 : i32
      %swap3A_384 = arith.constant 2 : i32
      %swap3A_385 = arith.index_cast %swap3A_384 : i32 to index
      %swap3A_386 = memref.load %arg4[%swap3A_385] : memref<4xi32, #tpu.memory_space<smem>>
      memref.store %swap3A_383, %arg4[%swap3A_385] : memref<4xi32, #tpu.memory_space<smem>>
      %swap3A_387 = arith.constant 1872000 : i32
      %swap3A_388 = arith.constant 3 : i32
      %swap3A_389 = arith.index_cast %swap3A_388 : i32 to index
      %swap3A_390 = memref.load %arg4[%swap3A_389] : memref<4xi32, #tpu.memory_space<smem>>
      memref.store %swap3A_387, %arg4[%swap3A_389] : memref<4xi32, #tpu.memory_space<smem>>
    } else {
    }
    %eq3A_138 = arith.constant 28 : i32
    %eq3A_139 = arith.cmpi eq, %add3A, %eq3A_138 : i32
    %convert_element_type3A_140 = arith.extui %eq3A_139 : i1 to i32
    %cond3A_141 = arith.constant 0 : i32
    %cond3A_142 = arith.cmpi ne, %convert_element_type3A_140, %cond3A_141 : i32
    scf.if %cond3A_142 {
      %swap3A = arith.constant 64000 : i32
      %swap3A_376 = arith.constant 0 : i32
      %swap3A_377 = arith.index_cast %swap3A_376 : i32 to index
      %swap3A_378 = memref.load %arg4[%swap3A_377] : memref<4xi32, #tpu.memory_space<smem>>
      memref.store %swap3A, %arg4[%swap3A_377] : memref<4xi32, #tpu.memory_space<smem>>
      %swap3A_379 = arith.constant 192000 : i32
      %swap3A_380 = arith.constant 1 : i32
      %swap3A_381 = arith.index_cast %swap3A_380 : i32 to index
      %swap3A_382 = memref.load %arg4[%swap3A_381] : memref<4xi32, #tpu.memory_space<smem>>
      memref.store %swap3A_379, %arg4[%swap3A_381] : memref<4xi32, #tpu.memory_space<smem>>
      %swap3A_383 = arith.constant 1392000 : i32
      %swap3A_384 = arith.constant 2 : i32
      %swap3A_385 = arith.index_cast %swap3A_384 : i32 to index
      %swap3A_386 = memref.load %arg4[%swap3A_385] : memref<4xi32, #tpu.memory_space<smem>>
      memref.store %swap3A_383, %arg4[%swap3A_385] : memref<4xi32, #tpu.memory_space<smem>>
      %swap3A_387 = arith.constant 1360000 : i32
      %swap3A_388 = arith.constant 3 : i32
      %swap3A_389 = arith.index_cast %swap3A_388 : i32 to index
      %swap3A_390 = memref.load %arg4[%swap3A_389] : memref<4xi32, #tpu.memory_space<smem>>
      memref.store %swap3A_387, %arg4[%swap3A_389] : memref<4xi32, #tpu.memory_space<smem>>
    } else {
    }
    %eq3A_143 = arith.constant 29 : i32
    %eq3A_144 = arith.cmpi eq, %add3A, %eq3A_143 : i32
    %convert_element_type3A_145 = arith.extui %eq3A_144 : i1 to i32
    %cond3A_146 = arith.constant 0 : i32
    %cond3A_147 = arith.cmpi ne, %convert_element_type3A_145, %cond3A_146 : i32
    scf.if %cond3A_147 {
      %swap3A = arith.constant 224000 : i32
      %swap3A_376 = arith.constant 0 : i32
      %swap3A_377 = arith.index_cast %swap3A_376 : i32 to index
      %swap3A_378 = memref.load %arg4[%swap3A_377] : memref<4xi32, #tpu.memory_space<smem>>
      memref.store %swap3A, %arg4[%swap3A_377] : memref<4xi32, #tpu.memory_space<smem>>
      %swap3A_379 = arith.constant 1312000 : i32
      %swap3A_380 = arith.constant 1 : i32
      %swap3A_381 = arith.index_cast %swap3A_380 : i32 to index
      %swap3A_382 = memref.load %arg4[%swap3A_381] : memref<4xi32, #tpu.memory_space<smem>>
      memref.store %swap3A_379, %arg4[%swap3A_381] : memref<4xi32, #tpu.memory_space<smem>>
      %swap3A_383 = arith.constant 496000 : i32
      %swap3A_384 = arith.constant 2 : i32
      %swap3A_385 = arith.index_cast %swap3A_384 : i32 to index
      %swap3A_386 = memref.load %arg4[%swap3A_385] : memref<4xi32, #tpu.memory_space<smem>>
      memref.store %swap3A_383, %arg4[%swap3A_385] : memref<4xi32, #tpu.memory_space<smem>>
      %swap3A_387 = arith.constant 1696000 : i32
      %swap3A_388 = arith.constant 3 : i32
      %swap3A_389 = arith.index_cast %swap3A_388 : i32 to index
      %swap3A_390 = memref.load %arg4[%swap3A_389] : memref<4xi32, #tpu.memory_space<smem>>
      memref.store %swap3A_387, %arg4[%swap3A_389] : memref<4xi32, #tpu.memory_space<smem>>
    } else {
    }
    %eq3A_148 = arith.constant 30 : i32
    %eq3A_149 = arith.cmpi eq, %add3A, %eq3A_148 : i32
    %convert_element_type3A_150 = arith.extui %eq3A_149 : i1 to i32
    %cond3A_151 = arith.constant 0 : i32
    %cond3A_152 = arith.cmpi ne, %convert_element_type3A_150, %cond3A_151 : i32
    scf.if %cond3A_152 {
      %swap3A = arith.constant 2032000 : i32
      %swap3A_376 = arith.constant 0 : i32
      %swap3A_377 = arith.index_cast %swap3A_376 : i32 to index
      %swap3A_378 = memref.load %arg4[%swap3A_377] : memref<4xi32, #tpu.memory_space<smem>>
      memref.store %swap3A, %arg4[%swap3A_377] : memref<4xi32, #tpu.memory_space<smem>>
      %swap3A_379 = arith.constant 2016000 : i32
      %swap3A_380 = arith.constant 1 : i32
      %swap3A_381 = arith.index_cast %swap3A_380 : i32 to index
      %swap3A_382 = memref.load %arg4[%swap3A_381] : memref<4xi32, #tpu.memory_space<smem>>
      memref.store %swap3A_379, %arg4[%swap3A_381] : memref<4xi32, #tpu.memory_space<smem>>
      %swap3A_383 = arith.constant 1552000 : i32
      %swap3A_384 = arith.constant 2 : i32
      %swap3A_385 = arith.index_cast %swap3A_384 : i32 to index
      %swap3A_386 = memref.load %arg4[%swap3A_385] : memref<4xi32, #tpu.memory_space<smem>>
      memref.store %swap3A_383, %arg4[%swap3A_385] : memref<4xi32, #tpu.memory_space<smem>>
      %swap3A_387 = arith.constant 656000 : i32
      %swap3A_388 = arith.constant 3 : i32
      %swap3A_389 = arith.index_cast %swap3A_388 : i32 to index
      %swap3A_390 = memref.load %arg4[%swap3A_389] : memref<4xi32, #tpu.memory_space<smem>>
      memref.store %swap3A_387, %arg4[%swap3A_389] : memref<4xi32, #tpu.memory_space<smem>>
    } else {
    }
    %eq3A_153 = arith.constant 31 : i32
    %eq3A_154 = arith.cmpi eq, %add3A, %eq3A_153 : i32
    %convert_element_type3A_155 = arith.extui %eq3A_154 : i1 to i32
    %cond3A_156 = arith.constant 0 : i32
    %cond3A_157 = arith.cmpi ne, %convert_element_type3A_155, %cond3A_156 : i32
    scf.if %cond3A_157 {
      %swap3A = arith.constant 400000 : i32
      %swap3A_376 = arith.constant 0 : i32
      %swap3A_377 = arith.index_cast %swap3A_376 : i32 to index
      %swap3A_378 = memref.load %arg4[%swap3A_377] : memref<4xi32, #tpu.memory_space<smem>>
      memref.store %swap3A, %arg4[%swap3A_377] : memref<4xi32, #tpu.memory_space<smem>>
      %swap3A_379 = arith.constant 688000 : i32
      %swap3A_380 = arith.constant 1 : i32
      %swap3A_381 = arith.index_cast %swap3A_380 : i32 to index
      %swap3A_382 = memref.load %arg4[%swap3A_381] : memref<4xi32, #tpu.memory_space<smem>>
      memref.store %swap3A_379, %arg4[%swap3A_381] : memref<4xi32, #tpu.memory_space<smem>>
      %swap3A_383 = arith.constant 624000 : i32
      %swap3A_384 = arith.constant 2 : i32
      %swap3A_385 = arith.index_cast %swap3A_384 : i32 to index
      %swap3A_386 = memref.load %arg4[%swap3A_385] : memref<4xi32, #tpu.memory_space<smem>>
      memref.store %swap3A_383, %arg4[%swap3A_385] : memref<4xi32, #tpu.memory_space<smem>>
      %swap3A_387 = arith.constant 176000 : i32
      %swap3A_388 = arith.constant 3 : i32
      %swap3A_389 = arith.index_cast %swap3A_388 : i32 to index
      %swap3A_390 = memref.load %arg4[%swap3A_389] : memref<4xi32, #tpu.memory_space<smem>>
      memref.store %swap3A_387, %arg4[%swap3A_389] : memref<4xi32, #tpu.memory_space<smem>>
    } else {
    }
    %mul3A_158 = arith.constant 4 : i32
    %mul3A_159 = arith.muli %add3A, %mul3A_158 : i32
    %get3A = arith.constant 0 : i32
    %get3A_160 = arith.index_cast %get3A : i32 to index
    %get3A_161 = memref.load %arg4[%get3A_160] : memref<4xi32, #tpu.memory_space<smem>>
    %multiple_of3A = tpu.assume_multiple %get3A_161, 16000 : i32
    %dma_start3A = arith.constant 0 : i32
    %dma_start3A_162 = arith.constant 0 : i32
    %dma_start3A_163 = arith.constant 0 : i32
    %dma_start3A_164 = tpu.memref_slice %arg5[%dma_start3A_162, %dma_start3A_163] : memref<8x16000xf32, #tpu.memory_space<vmem>> -> memref<2x16000xf32, #tpu.memory_space<vmem>>
    %dma_start3A_165 = arith.constant 0 : i32
    %dma_start3A_166 = tpu.memref_slice %arg2[%dma_start3A_165, %multiple_of3A] : memref<2x2048000xf32, #tpu.memory_space<hbm>> -> memref<2x16000xf32, #tpu.memory_space<hbm>>
    %dma_start3A_167 = tpu.memref_slice %arg6[%dma_start3A] : memref<4x!tpu.dma_semaphore, #tpu.memory_space<semaphore_mem>> -> memref<1x!tpu.dma_semaphore, #tpu.memory_space<semaphore_mem>>
    %dma_start3A_168 = tpu.memref_squeeze %dma_start3A_167 : memref<1x!tpu.dma_semaphore, #tpu.memory_space<semaphore_mem>> -> memref<!tpu.dma_semaphore, #tpu.memory_space<semaphore_mem>>
    %dma_start3A_169 = arith.constant 0 : i32
    %dma_start3A_170 = arith.constant 0 : i32
    %dma_start3A_171 = tpu.memref_slice %arg5[%dma_start3A_169, %dma_start3A_170] : memref<8x16000xf32, #tpu.memory_space<vmem>> -> memref<2x16000xf32, #tpu.memory_space<vmem>>
    %dma_start3A_172 = arith.constant 0 : i32
    %dma_start3A_173 = tpu.memref_slice %arg2[%dma_start3A_172, %multiple_of3A] : memref<2x2048000xf32, #tpu.memory_space<hbm>> -> memref<2x16000xf32, #tpu.memory_space<hbm>>
    tpu.enqueue_dma source(%dma_start3A_173 : memref<2x16000xf32, #tpu.memory_space<hbm>>) target(%dma_start3A_171 : memref<2x16000xf32, #tpu.memory_space<vmem>>) target_semaphore(%dma_start3A_168 : memref<!tpu.dma_semaphore, #tpu.memory_space<semaphore_mem>>)
    %get3A_174 = arith.constant 1 : i32
    %get3A_175 = arith.index_cast %get3A_174 : i32 to index
    %get3A_176 = memref.load %arg4[%get3A_175] : memref<4xi32, #tpu.memory_space<smem>>
    %multiple_of3A_177 = tpu.assume_multiple %get3A_176, 16000 : i32
    %dma_start3A_178 = arith.constant 1 : i32
    %dma_start3A_179 = arith.constant 2 : i32
    %dma_start3A_180 = arith.constant 0 : i32
    %dma_start3A_181 = tpu.memref_slice %arg5[%dma_start3A_179, %dma_start3A_180] : memref<8x16000xf32, #tpu.memory_space<vmem>> -> memref<2x16000xf32, #tpu.memory_space<vmem>>
    %dma_start3A_182 = arith.constant 0 : i32
    %dma_start3A_183 = tpu.memref_slice %arg2[%dma_start3A_182, %multiple_of3A_177] : memref<2x2048000xf32, #tpu.memory_space<hbm>> -> memref<2x16000xf32, #tpu.memory_space<hbm>>
    %dma_start3A_184 = tpu.memref_slice %arg6[%dma_start3A_178] : memref<4x!tpu.dma_semaphore, #tpu.memory_space<semaphore_mem>> -> memref<1x!tpu.dma_semaphore, #tpu.memory_space<semaphore_mem>>
    %dma_start3A_185 = tpu.memref_squeeze %dma_start3A_184 : memref<1x!tpu.dma_semaphore, #tpu.memory_space<semaphore_mem>> -> memref<!tpu.dma_semaphore, #tpu.memory_space<semaphore_mem>>
    %dma_start3A_186 = arith.constant 2 : i32
    %dma_start3A_187 = arith.constant 0 : i32
    %dma_start3A_188 = tpu.memref_slice %arg5[%dma_start3A_186, %dma_start3A_187] : memref<8x16000xf32, #tpu.memory_space<vmem>> -> memref<2x16000xf32, #tpu.memory_space<vmem>>
    %dma_start3A_189 = arith.constant 0 : i32
    %dma_start3A_190 = tpu.memref_slice %arg2[%dma_start3A_189, %multiple_of3A_177] : memref<2x2048000xf32, #tpu.memory_space<hbm>> -> memref<2x16000xf32, #tpu.memory_space<hbm>>
    tpu.enqueue_dma source(%dma_start3A_190 : memref<2x16000xf32, #tpu.memory_space<hbm>>) target(%dma_start3A_188 : memref<2x16000xf32, #tpu.memory_space<vmem>>) target_semaphore(%dma_start3A_185 : memref<!tpu.dma_semaphore, #tpu.memory_space<semaphore_mem>>)
    %get3A_191 = arith.constant 2 : i32
    %get3A_192 = arith.index_cast %get3A_191 : i32 to index
    %get3A_193 = memref.load %arg4[%get3A_192] : memref<4xi32, #tpu.memory_space<smem>>
    %multiple_of3A_194 = tpu.assume_multiple %get3A_193, 16000 : i32
    %dma_start3A_195 = arith.constant 2 : i32
    %dma_start3A_196 = arith.constant 4 : i32
    %dma_start3A_197 = arith.constant 0 : i32
    %dma_start3A_198 = tpu.memref_slice %arg5[%dma_start3A_196, %dma_start3A_197] : memref<8x16000xf32, #tpu.memory_space<vmem>> -> memref<2x16000xf32, #tpu.memory_space<vmem>>
    %dma_start3A_199 = arith.constant 0 : i32
    %dma_start3A_200 = tpu.memref_slice %arg2[%dma_start3A_199, %multiple_of3A_194] : memref<2x2048000xf32, #tpu.memory_space<hbm>> -> memref<2x16000xf32, #tpu.memory_space<hbm>>
    %dma_start3A_201 = tpu.memref_slice %arg6[%dma_start3A_195] : memref<4x!tpu.dma_semaphore, #tpu.memory_space<semaphore_mem>> -> memref<1x!tpu.dma_semaphore, #tpu.memory_space<semaphore_mem>>
    %dma_start3A_202 = tpu.memref_squeeze %dma_start3A_201 : memref<1x!tpu.dma_semaphore, #tpu.memory_space<semaphore_mem>> -> memref<!tpu.dma_semaphore, #tpu.memory_space<semaphore_mem>>
    %dma_start3A_203 = arith.constant 4 : i32
    %dma_start3A_204 = arith.constant 0 : i32
    %dma_start3A_205 = tpu.memref_slice %arg5[%dma_start3A_203, %dma_start3A_204] : memref<8x16000xf32, #tpu.memory_space<vmem>> -> memref<2x16000xf32, #tpu.memory_space<vmem>>
    %dma_start3A_206 = arith.constant 0 : i32
    %dma_start3A_207 = tpu.memref_slice %arg2[%dma_start3A_206, %multiple_of3A_194] : memref<2x2048000xf32, #tpu.memory_space<hbm>> -> memref<2x16000xf32, #tpu.memory_space<hbm>>
    tpu.enqueue_dma source(%dma_start3A_207 : memref<2x16000xf32, #tpu.memory_space<hbm>>) target(%dma_start3A_205 : memref<2x16000xf32, #tpu.memory_space<vmem>>) target_semaphore(%dma_start3A_202 : memref<!tpu.dma_semaphore, #tpu.memory_space<semaphore_mem>>)
    %get3A_208 = arith.constant 3 : i32
    %get3A_209 = arith.index_cast %get3A_208 : i32 to index
    %get3A_210 = memref.load %arg4[%get3A_209] : memref<4xi32, #tpu.memory_space<smem>>
    %multiple_of3A_211 = tpu.assume_multiple %get3A_210, 16000 : i32
    %dma_start3A_212 = arith.constant 3 : i32
    %dma_start3A_213 = arith.constant 6 : i32
    %dma_start3A_214 = arith.constant 0 : i32
    %dma_start3A_215 = tpu.memref_slice %arg5[%dma_start3A_213, %dma_start3A_214] : memref<8x16000xf32, #tpu.memory_space<vmem>> -> memref<2x16000xf32, #tpu.memory_space<vmem>>
    %dma_start3A_216 = arith.constant 0 : i32
    %dma_start3A_217 = tpu.memref_slice %arg2[%dma_start3A_216, %multiple_of3A_211] : memref<2x2048000xf32, #tpu.memory_space<hbm>> -> memref<2x16000xf32, #tpu.memory_space<hbm>>
    %dma_start3A_218 = tpu.memref_slice %arg6[%dma_start3A_212] : memref<4x!tpu.dma_semaphore, #tpu.memory_space<semaphore_mem>> -> memref<1x!tpu.dma_semaphore, #tpu.memory_space<semaphore_mem>>
    %dma_start3A_219 = tpu.memref_squeeze %dma_start3A_218 : memref<1x!tpu.dma_semaphore, #tpu.memory_space<semaphore_mem>> -> memref<!tpu.dma_semaphore, #tpu.memory_space<semaphore_mem>>
    %dma_start3A_220 = arith.constant 6 : i32
    %dma_start3A_221 = arith.constant 0 : i32
    %dma_start3A_222 = tpu.memref_slice %arg5[%dma_start3A_220, %dma_start3A_221] : memref<8x16000xf32, #tpu.memory_space<vmem>> -> memref<2x16000xf32, #tpu.memory_space<vmem>>
    %dma_start3A_223 = arith.constant 0 : i32
    %dma_start3A_224 = tpu.memref_slice %arg2[%dma_start3A_223, %multiple_of3A_211] : memref<2x2048000xf32, #tpu.memory_space<hbm>> -> memref<2x16000xf32, #tpu.memory_space<hbm>>
    tpu.enqueue_dma source(%dma_start3A_224 : memref<2x16000xf32, #tpu.memory_space<hbm>>) target(%dma_start3A_222 : memref<2x16000xf32, #tpu.memory_space<vmem>>) target_semaphore(%dma_start3A_219 : memref<!tpu.dma_semaphore, #tpu.memory_space<semaphore_mem>>)
    %dma_wait3A = arith.constant 0 : i32
    %dma_wait3A_225 = arith.constant 0 : i32
    %dma_wait3A_226 = arith.constant 0 : i32
    %dma_wait3A_227 = tpu.memref_slice %arg5[%dma_wait3A_225, %dma_wait3A_226] : memref<8x16000xf32, #tpu.memory_space<vmem>> -> memref<2x16000xf32, #tpu.memory_space<vmem>>
    %dma_wait3A_228 = arith.constant 0 : i32
    %dma_wait3A_229 = tpu.memref_slice %arg2[%dma_wait3A_228, %multiple_of3A] : memref<2x2048000xf32, #tpu.memory_space<hbm>> -> memref<2x16000xf32, #tpu.memory_space<hbm>>
    %dma_wait3A_230 = tpu.memref_slice %arg6[%dma_wait3A] : memref<4x!tpu.dma_semaphore, #tpu.memory_space<semaphore_mem>> -> memref<1x!tpu.dma_semaphore, #tpu.memory_space<semaphore_mem>>
    %dma_wait3A_231 = tpu.memref_squeeze %dma_wait3A_230 : memref<1x!tpu.dma_semaphore, #tpu.memory_space<semaphore_mem>> -> memref<!tpu.dma_semaphore, #tpu.memory_space<semaphore_mem>>
    %dma_wait3A_232 = arith.constant 0 : i32
    %dma_wait3A_233 = arith.constant 0 : i32
    %dma_wait3A_234 = tpu.memref_slice %arg5[%dma_wait3A_232, %dma_wait3A_233] : memref<8x16000xf32, #tpu.memory_space<vmem>> -> memref<2x16000xf32, #tpu.memory_space<vmem>>
    %dma_wait3A_235 = arith.constant 0 : i32
    %dma_wait3A_236 = tpu.memref_slice %arg2[%dma_wait3A_235, %multiple_of3A] : memref<2x2048000xf32, #tpu.memory_space<hbm>> -> memref<2x16000xf32, #tpu.memory_space<hbm>>
    tpu.wait_dma2 semaphore(%dma_wait3A_231 : memref<!tpu.dma_semaphore, #tpu.memory_space<semaphore_mem>>) src(%dma_wait3A_236 : memref<2x16000xf32, #tpu.memory_space<hbm>>) dst(%dma_wait3A_234 : memref<2x16000xf32, #tpu.memory_space<vmem>>)
    %add3A_237 = arith.constant 0 : i32
    %add3A_238 = arith.addi %mul3A_159, %add3A_237 : i32
    %mul3A_239 = arith.constant 16000 : i32
    %mul3A_240 = arith.muli %add3A_238, %mul3A_239 : i32
    %multiple_of3A_241 = tpu.assume_multiple %mul3A_240, 16000 : i32
    %dma_start3A_242 = arith.constant 0 : i32
    %dma_start3A_243 = arith.constant 0 : i32
    %dma_start3A_244 = tpu.memref_slice %arg5[%dma_start3A_242, %dma_start3A_243] : memref<8x16000xf32, #tpu.memory_space<vmem>> -> memref<2x16000xf32, #tpu.memory_space<vmem>>
    %dma_start3A_245 = arith.constant 0 : i32
    %dma_start3A_246 = tpu.memref_slice %arg3[%dma_start3A_245, %multiple_of3A_241] : memref<2x2048000xf32, #tpu.memory_space<hbm>> -> memref<2x16000xf32, #tpu.memory_space<hbm>>
    %dma_start3A_247 = arith.constant 0 : i32
    %dma_start3A_248 = tpu.memref_slice %arg3[%dma_start3A_247, %multiple_of3A_241] : memref<2x2048000xf32, #tpu.memory_space<hbm>> -> memref<2x16000xf32, #tpu.memory_space<hbm>>
    %dma_start3A_249 = arith.constant 0 : i32
    %dma_start3A_250 = arith.constant 0 : i32
    %dma_start3A_251 = tpu.memref_slice %arg5[%dma_start3A_249, %dma_start3A_250] : memref<8x16000xf32, #tpu.memory_space<vmem>> -> memref<2x16000xf32, #tpu.memory_space<vmem>>
    tpu.enqueue_dma source(%dma_start3A_251 : memref<2x16000xf32, #tpu.memory_space<vmem>>) target(%dma_start3A_248 : memref<2x16000xf32, #tpu.memory_space<hbm>>) target_semaphore(%arg7 : memref<!tpu.dma_semaphore, #tpu.memory_space<semaphore_mem>>)
    %dma_wait3A_252 = arith.constant 1 : i32
    %dma_wait3A_253 = arith.constant 2 : i32
    %dma_wait3A_254 = arith.constant 0 : i32
    %dma_wait3A_255 = tpu.memref_slice %arg5[%dma_wait3A_253, %dma_wait3A_254] : memref<8x16000xf32, #tpu.memory_space<vmem>> -> memref<2x16000xf32, #tpu.memory_space<vmem>>
    %dma_wait3A_256 = arith.constant 0 : i32
    %dma_wait3A_257 = tpu.memref_slice %arg2[%dma_wait3A_256, %multiple_of3A_177] : memref<2x2048000xf32, #tpu.memory_space<hbm>> -> memref<2x16000xf32, #tpu.memory_space<hbm>>
    %dma_wait3A_258 = tpu.memref_slice %arg6[%dma_wait3A_252] : memref<4x!tpu.dma_semaphore, #tpu.memory_space<semaphore_mem>> -> memref<1x!tpu.dma_semaphore, #tpu.memory_space<semaphore_mem>>
    %dma_wait3A_259 = tpu.memref_squeeze %dma_wait3A_258 : memref<1x!tpu.dma_semaphore, #tpu.memory_space<semaphore_mem>> -> memref<!tpu.dma_semaphore, #tpu.memory_space<semaphore_mem>>
    %dma_wait3A_260 = arith.constant 2 : i32
    %dma_wait3A_261 = arith.constant 0 : i32
    %dma_wait3A_262 = tpu.memref_slice %arg5[%dma_wait3A_260, %dma_wait3A_261] : memref<8x16000xf32, #tpu.memory_space<vmem>> -> memref<2x16000xf32, #tpu.memory_space<vmem>>
    %dma_wait3A_263 = arith.constant 0 : i32
    %dma_wait3A_264 = tpu.memref_slice %arg2[%dma_wait3A_263, %multiple_of3A_177] : memref<2x2048000xf32, #tpu.memory_space<hbm>> -> memref<2x16000xf32, #tpu.memory_space<hbm>>
    tpu.wait_dma2 semaphore(%dma_wait3A_259 : memref<!tpu.dma_semaphore, #tpu.memory_space<semaphore_mem>>) src(%dma_wait3A_264 : memref<2x16000xf32, #tpu.memory_space<hbm>>) dst(%dma_wait3A_262 : memref<2x16000xf32, #tpu.memory_space<vmem>>)
    %add3A_265 = arith.constant 1 : i32
    %add3A_266 = arith.addi %mul3A_159, %add3A_265 : i32
    %mul3A_267 = arith.constant 16000 : i32
    %mul3A_268 = arith.muli %add3A_266, %mul3A_267 : i32
    %multiple_of3A_269 = tpu.assume_multiple %mul3A_268, 16000 : i32
    %dma_start3A_270 = arith.constant 2 : i32
    %dma_start3A_271 = arith.constant 0 : i32
    %dma_start3A_272 = tpu.memref_slice %arg5[%dma_start3A_270, %dma_start3A_271] : memref<8x16000xf32, #tpu.memory_space<vmem>> -> memref<2x16000xf32, #tpu.memory_space<vmem>>
    %dma_start3A_273 = arith.constant 0 : i32
    %dma_start3A_274 = tpu.memref_slice %arg3[%dma_start3A_273, %multiple_of3A_269] : memref<2x2048000xf32, #tpu.memory_space<hbm>> -> memref<2x16000xf32, #tpu.memory_space<hbm>>
    %dma_start3A_275 = arith.constant 0 : i32
    %dma_start3A_276 = tpu.memref_slice %arg3[%dma_start3A_275, %multiple_of3A_269] : memref<2x2048000xf32, #tpu.memory_space<hbm>> -> memref<2x16000xf32, #tpu.memory_space<hbm>>
    %dma_start3A_277 = arith.constant 2 : i32
    %dma_start3A_278 = arith.constant 0 : i32
    %dma_start3A_279 = tpu.memref_slice %arg5[%dma_start3A_277, %dma_start3A_278] : memref<8x16000xf32, #tpu.memory_space<vmem>> -> memref<2x16000xf32, #tpu.memory_space<vmem>>
    tpu.enqueue_dma source(%dma_start3A_279 : memref<2x16000xf32, #tpu.memory_space<vmem>>) target(%dma_start3A_276 : memref<2x16000xf32, #tpu.memory_space<hbm>>) target_semaphore(%arg7 : memref<!tpu.dma_semaphore, #tpu.memory_space<semaphore_mem>>)
    %dma_wait3A_280 = arith.constant 2 : i32
    %dma_wait3A_281 = arith.constant 4 : i32
    %dma_wait3A_282 = arith.constant 0 : i32
    %dma_wait3A_283 = tpu.memref_slice %arg5[%dma_wait3A_281, %dma_wait3A_282] : memref<8x16000xf32, #tpu.memory_space<vmem>> -> memref<2x16000xf32, #tpu.memory_space<vmem>>
    %dma_wait3A_284 = arith.constant 0 : i32
    %dma_wait3A_285 = tpu.memref_slice %arg2[%dma_wait3A_284, %multiple_of3A_194] : memref<2x2048000xf32, #tpu.memory_space<hbm>> -> memref<2x16000xf32, #tpu.memory_space<hbm>>
    %dma_wait3A_286 = tpu.memref_slice %arg6[%dma_wait3A_280] : memref<4x!tpu.dma_semaphore, #tpu.memory_space<semaphore_mem>> -> memref<1x!tpu.dma_semaphore, #tpu.memory_space<semaphore_mem>>
    %dma_wait3A_287 = tpu.memref_squeeze %dma_wait3A_286 : memref<1x!tpu.dma_semaphore, #tpu.memory_space<semaphore_mem>> -> memref<!tpu.dma_semaphore, #tpu.memory_space<semaphore_mem>>
    %dma_wait3A_288 = arith.constant 4 : i32
    %dma_wait3A_289 = arith.constant 0 : i32
    %dma_wait3A_290 = tpu.memref_slice %arg5[%dma_wait3A_288, %dma_wait3A_289] : memref<8x16000xf32, #tpu.memory_space<vmem>> -> memref<2x16000xf32, #tpu.memory_space<vmem>>
    %dma_wait3A_291 = arith.constant 0 : i32
    %dma_wait3A_292 = tpu.memref_slice %arg2[%dma_wait3A_291, %multiple_of3A_194] : memref<2x2048000xf32, #tpu.memory_space<hbm>> -> memref<2x16000xf32, #tpu.memory_space<hbm>>
    tpu.wait_dma2 semaphore(%dma_wait3A_287 : memref<!tpu.dma_semaphore, #tpu.memory_space<semaphore_mem>>) src(%dma_wait3A_292 : memref<2x16000xf32, #tpu.memory_space<hbm>>) dst(%dma_wait3A_290 : memref<2x16000xf32, #tpu.memory_space<vmem>>)
    %add3A_293 = arith.constant 2 : i32
    %add3A_294 = arith.addi %mul3A_159, %add3A_293 : i32
    %mul3A_295 = arith.constant 16000 : i32
    %mul3A_296 = arith.muli %add3A_294, %mul3A_295 : i32
    %multiple_of3A_297 = tpu.assume_multiple %mul3A_296, 16000 : i32
    %dma_start3A_298 = arith.constant 4 : i32
    %dma_start3A_299 = arith.constant 0 : i32
    %dma_start3A_300 = tpu.memref_slice %arg5[%dma_start3A_298, %dma_start3A_299] : memref<8x16000xf32, #tpu.memory_space<vmem>> -> memref<2x16000xf32, #tpu.memory_space<vmem>>
    %dma_start3A_301 = arith.constant 0 : i32
    %dma_start3A_302 = tpu.memref_slice %arg3[%dma_start3A_301, %multiple_of3A_297] : memref<2x2048000xf32, #tpu.memory_space<hbm>> -> memref<2x16000xf32, #tpu.memory_space<hbm>>
    %dma_start3A_303 = arith.constant 0 : i32
    %dma_start3A_304 = tpu.memref_slice %arg3[%dma_start3A_303, %multiple_of3A_297] : memref<2x2048000xf32, #tpu.memory_space<hbm>> -> memref<2x16000xf32, #tpu.memory_space<hbm>>
    %dma_start3A_305 = arith.constant 4 : i32
    %dma_start3A_306 = arith.constant 0 : i32
    %dma_start3A_307 = tpu.memref_slice %arg5[%dma_start3A_305, %dma_start3A_306] : memref<8x16000xf32, #tpu.memory_space<vmem>> -> memref<2x16000xf32, #tpu.memory_space<vmem>>
    tpu.enqueue_dma source(%dma_start3A_307 : memref<2x16000xf32, #tpu.memory_space<vmem>>) target(%dma_start3A_304 : memref<2x16000xf32, #tpu.memory_space<hbm>>) target_semaphore(%arg7 : memref<!tpu.dma_semaphore, #tpu.memory_space<semaphore_mem>>)
    %dma_wait3A_308 = arith.constant 3 : i32
    %dma_wait3A_309 = arith.constant 6 : i32
    %dma_wait3A_310 = arith.constant 0 : i32
    %dma_wait3A_311 = tpu.memref_slice %arg5[%dma_wait3A_309, %dma_wait3A_310] : memref<8x16000xf32, #tpu.memory_space<vmem>> -> memref<2x16000xf32, #tpu.memory_space<vmem>>
    %dma_wait3A_312 = arith.constant 0 : i32
    %dma_wait3A_313 = tpu.memref_slice %arg2[%dma_wait3A_312, %multiple_of3A_211] : memref<2x2048000xf32, #tpu.memory_space<hbm>> -> memref<2x16000xf32, #tpu.memory_space<hbm>>
    %dma_wait3A_314 = tpu.memref_slice %arg6[%dma_wait3A_308] : memref<4x!tpu.dma_semaphore, #tpu.memory_space<semaphore_mem>> -> memref<1x!tpu.dma_semaphore, #tpu.memory_space<semaphore_mem>>
    %dma_wait3A_315 = tpu.memref_squeeze %dma_wait3A_314 : memref<1x!tpu.dma_semaphore, #tpu.memory_space<semaphore_mem>> -> memref<!tpu.dma_semaphore, #tpu.memory_space<semaphore_mem>>
    %dma_wait3A_316 = arith.constant 6 : i32
    %dma_wait3A_317 = arith.constant 0 : i32
    %dma_wait3A_318 = tpu.memref_slice %arg5[%dma_wait3A_316, %dma_wait3A_317] : memref<8x16000xf32, #tpu.memory_space<vmem>> -> memref<2x16000xf32, #tpu.memory_space<vmem>>
    %dma_wait3A_319 = arith.constant 0 : i32
    %dma_wait3A_320 = tpu.memref_slice %arg2[%dma_wait3A_319, %multiple_of3A_211] : memref<2x2048000xf32, #tpu.memory_space<hbm>> -> memref<2x16000xf32, #tpu.memory_space<hbm>>
    tpu.wait_dma2 semaphore(%dma_wait3A_315 : memref<!tpu.dma_semaphore, #tpu.memory_space<semaphore_mem>>) src(%dma_wait3A_320 : memref<2x16000xf32, #tpu.memory_space<hbm>>) dst(%dma_wait3A_318 : memref<2x16000xf32, #tpu.memory_space<vmem>>)
    %add3A_321 = arith.constant 3 : i32
    %add3A_322 = arith.addi %mul3A_159, %add3A_321 : i32
    %mul3A_323 = arith.constant 16000 : i32
    %mul3A_324 = arith.muli %add3A_322, %mul3A_323 : i32
    %multiple_of3A_325 = tpu.assume_multiple %mul3A_324, 16000 : i32
    %dma_start3A_326 = arith.constant 6 : i32
    %dma_start3A_327 = arith.constant 0 : i32
    %dma_start3A_328 = tpu.memref_slice %arg5[%dma_start3A_326, %dma_start3A_327] : memref<8x16000xf32, #tpu.memory_space<vmem>> -> memref<2x16000xf32, #tpu.memory_space<vmem>>
    %dma_start3A_329 = arith.constant 0 : i32
    %dma_start3A_330 = tpu.memref_slice %arg3[%dma_start3A_329, %multiple_of3A_325] : memref<2x2048000xf32, #tpu.memory_space<hbm>> -> memref<2x16000xf32, #tpu.memory_space<hbm>>
    %dma_start3A_331 = arith.constant 0 : i32
    %dma_start3A_332 = tpu.memref_slice %arg3[%dma_start3A_331, %multiple_of3A_325] : memref<2x2048000xf32, #tpu.memory_space<hbm>> -> memref<2x16000xf32, #tpu.memory_space<hbm>>
    %dma_start3A_333 = arith.constant 6 : i32
    %dma_start3A_334 = arith.constant 0 : i32
    %dma_start3A_335 = tpu.memref_slice %arg5[%dma_start3A_333, %dma_start3A_334] : memref<8x16000xf32, #tpu.memory_space<vmem>> -> memref<2x16000xf32, #tpu.memory_space<vmem>>
    tpu.enqueue_dma source(%dma_start3A_335 : memref<2x16000xf32, #tpu.memory_space<vmem>>) target(%dma_start3A_332 : memref<2x16000xf32, #tpu.memory_space<hbm>>) target_semaphore(%arg7 : memref<!tpu.dma_semaphore, #tpu.memory_space<semaphore_mem>>)
    %dma_wait3A_336 = arith.constant 0 : i32
    %dma_wait3A_337 = arith.constant 0 : i32
    %dma_wait3A_338 = tpu.memref_slice %arg5[%dma_wait3A_336, %dma_wait3A_337] : memref<8x16000xf32, #tpu.memory_space<vmem>> -> memref<2x16000xf32, #tpu.memory_space<vmem>>
    %dma_wait3A_339 = arith.constant 0 : i32
    %dma_wait3A_340 = tpu.memref_slice %arg3[%dma_wait3A_339, %multiple_of3A_241] : memref<2x2048000xf32, #tpu.memory_space<hbm>> -> memref<2x16000xf32, #tpu.memory_space<hbm>>
    %dma_wait3A_341 = arith.constant 0 : i32
    %dma_wait3A_342 = tpu.memref_slice %arg3[%dma_wait3A_341, %multiple_of3A_241] : memref<2x2048000xf32, #tpu.memory_space<hbm>> -> memref<2x16000xf32, #tpu.memory_space<hbm>>
    %dma_wait3A_343 = arith.constant 0 : i32
    %dma_wait3A_344 = arith.constant 0 : i32
    %dma_wait3A_345 = tpu.memref_slice %arg5[%dma_wait3A_343, %dma_wait3A_344] : memref<8x16000xf32, #tpu.memory_space<vmem>> -> memref<2x16000xf32, #tpu.memory_space<vmem>>
    tpu.wait_dma2 semaphore(%arg7 : memref<!tpu.dma_semaphore, #tpu.memory_space<semaphore_mem>>) src(%dma_wait3A_345 : memref<2x16000xf32, #tpu.memory_space<vmem>>) dst(%dma_wait3A_342 : memref<2x16000xf32, #tpu.memory_space<hbm>>)
    %dma_wait3A_346 = arith.constant 2 : i32
    %dma_wait3A_347 = arith.constant 0 : i32
    %dma_wait3A_348 = tpu.memref_slice %arg5[%dma_wait3A_346, %dma_wait3A_347] : memref<8x16000xf32, #tpu.memory_space<vmem>> -> memref<2x16000xf32, #tpu.memory_space<vmem>>
    %dma_wait3A_349 = arith.constant 0 : i32
    %dma_wait3A_350 = tpu.memref_slice %arg3[%dma_wait3A_349, %multiple_of3A_269] : memref<2x2048000xf32, #tpu.memory_space<hbm>> -> memref<2x16000xf32, #tpu.memory_space<hbm>>
    %dma_wait3A_351 = arith.constant 0 : i32
    %dma_wait3A_352 = tpu.memref_slice %arg3[%dma_wait3A_351, %multiple_of3A_269] : memref<2x2048000xf32, #tpu.memory_space<hbm>> -> memref<2x16000xf32, #tpu.memory_space<hbm>>
    %dma_wait3A_353 = arith.constant 2 : i32
    %dma_wait3A_354 = arith.constant 0 : i32
    %dma_wait3A_355 = tpu.memref_slice %arg5[%dma_wait3A_353, %dma_wait3A_354] : memref<8x16000xf32, #tpu.memory_space<vmem>> -> memref<2x16000xf32, #tpu.memory_space<vmem>>
    tpu.wait_dma2 semaphore(%arg7 : memref<!tpu.dma_semaphore, #tpu.memory_space<semaphore_mem>>) src(%dma_wait3A_355 : memref<2x16000xf32, #tpu.memory_space<vmem>>) dst(%dma_wait3A_352 : memref<2x16000xf32, #tpu.memory_space<hbm>>)
    %dma_wait3A_356 = arith.constant 4 : i32
    %dma_wait3A_357 = arith.constant 0 : i32
    %dma_wait3A_358 = tpu.memref_slice %arg5[%dma_wait3A_356, %dma_wait3A_357] : memref<8x16000xf32, #tpu.memory_space<vmem>> -> memref<2x16000xf32, #tpu.memory_space<vmem>>
    %dma_wait3A_359 = arith.constant 0 : i32
    %dma_wait3A_360 = tpu.memref_slice %arg3[%dma_wait3A_359, %multiple_of3A_297] : memref<2x2048000xf32, #tpu.memory_space<hbm>> -> memref<2x16000xf32, #tpu.memory_space<hbm>>
    %dma_wait3A_361 = arith.constant 0 : i32
    %dma_wait3A_362 = tpu.memref_slice %arg3[%dma_wait3A_361, %multiple_of3A_297] : memref<2x2048000xf32, #tpu.memory_space<hbm>> -> memref<2x16000xf32, #tpu.memory_space<hbm>>
    %dma_wait3A_363 = arith.constant 4 : i32
    %dma_wait3A_364 = arith.constant 0 : i32
    %dma_wait3A_365 = tpu.memref_slice %arg5[%dma_wait3A_363, %dma_wait3A_364] : memref<8x16000xf32, #tpu.memory_space<vmem>> -> memref<2x16000xf32, #tpu.memory_space<vmem>>
    tpu.wait_dma2 semaphore(%arg7 : memref<!tpu.dma_semaphore, #tpu.memory_space<semaphore_mem>>) src(%dma_wait3A_365 : memref<2x16000xf32, #tpu.memory_space<vmem>>) dst(%dma_wait3A_362 : memref<2x16000xf32, #tpu.memory_space<hbm>>)
    %dma_wait3A_366 = arith.constant 6 : i32
    %dma_wait3A_367 = arith.constant 0 : i32
    %dma_wait3A_368 = tpu.memref_slice %arg5[%dma_wait3A_366, %dma_wait3A_367] : memref<8x16000xf32, #tpu.memory_space<vmem>> -> memref<2x16000xf32, #tpu.memory_space<vmem>>
    %dma_wait3A_369 = arith.constant 0 : i32
    %dma_wait3A_370 = tpu.memref_slice %arg3[%dma_wait3A_369, %multiple_of3A_325] : memref<2x2048000xf32, #tpu.memory_space<hbm>> -> memref<2x16000xf32, #tpu.memory_space<hbm>>
    %dma_wait3A_371 = arith.constant 0 : i32
    %dma_wait3A_372 = tpu.memref_slice %arg3[%dma_wait3A_371, %multiple_of3A_325] : memref<2x2048000xf32, #tpu.memory_space<hbm>> -> memref<2x16000xf32, #tpu.memory_space<hbm>>
    %dma_wait3A_373 = arith.constant 6 : i32
    %dma_wait3A_374 = arith.constant 0 : i32
    %dma_wait3A_375 = tpu.memref_slice %arg5[%dma_wait3A_373, %dma_wait3A_374] : memref<8x16000xf32, #tpu.memory_space<vmem>> -> memref<2x16000xf32, #tpu.memory_space<vmem>>
    tpu.wait_dma2 semaphore(%arg7 : memref<!tpu.dma_semaphore, #tpu.memory_space<semaphore_mem>>) src(%dma_wait3A_375 : memref<2x16000xf32, #tpu.memory_space<vmem>>) dst(%dma_wait3A_372 : memref<2x16000xf32, #tpu.memory_space<hbm>>)
    return
  }
}

</mosaic_0001>

<sc_bundles>
// kernel: kernel.3.cloned.1.call-start
scs
__scs_entry_jumppad:
0x0: {  	(pc) =	sbr.rel $0x88, $3  }
0x1: {  	(tag) =	ssettag $0x0;
	lr =	simm.s32 $0x1  }
0x2: {  	[smem:$0x3FA0] =	sst lr;
	_ =	strace $0xD0000000  }
0x3: {  	_ = 	snop  }
0x4: {  	_ = 	snop  }
0x5: {  	_ = 	snop  }
0x6: {  	_ = 	snop  }
0x7: {  	_ = 	snop  }
__scs_overlays_trampoline_lowered:
0x8: {  	[smem:$0x3FAF] =	sst s0  }
0x9: {  	[smem:$0x3FB0] =	sst s1  }
0xa: {  	[smem:$0x3FB1] =	sst s2  }
0xb: {  	[smem:$0x3FB2] =	sst s3  }
0xc: {  	[smem:$0x3FB3] =	sst s4  }
0xd: {  	[smem:$0x3FB4] =	sst s5  }
0xe: {  	[smem:$0x3FB5] =	sst s6  }
0xf: {  	[smem:$0x3FB6] =	sst s7  }
0x10: {  	[smem:$0x3FB7] =	sst s8  }
0x11: {  	[smem:$0x3FB8] =	sst s9;
	s0 =	simm.s32 @!p0 $0x0  }
0x12: {  	s1 =	sld [smem:$0x3F9E];
	s0 =	simm.s32 @p0 $0x1  }
0x13: {  	[smem:$0x3FB9] =	sst s0;
	s0 =	simm.s32 @!p1 $0x0  }
0x14: {  	s2 =	sld [smem:$0x3F9D];
	s0 =	simm.s32 @p1 $0x1  }
0x15: {  	[smem:$0x3FBA] =	sst s0;
	s0 =	simm.s32 @!p2 $0x0  }
0x16: {  	s3 =	sld [smem:$0x3FDB];
	s0 =	simm.s32 @p2 $0x1  }
0x17: {  	s4 =	simm.s32 $0x1BF5;
	[smem:$0x3FBC] =	sst s0  }
0x18: {  	s0 =	sld [smem:$0x3F9F];
	_ =	swait.ge [sflag:s4], $0x0  }
0x19: {  	s7 =	sld [smem:$0x3FA0]  }
0x1a: {  	s8 =	sadd.s32 $0xFFFFE003, lr  }
0x1b: {  	s9 =	sadd.s32 $0xFFFFFEF7, lr;
	s5 =	simm.s32 $0xFFFFFFFF;
	p2 =	slt.u32 s8, $0xFFFFF086  }
0x1c: {  	p1 =	slt.u32 s9, $0xF7A;
	s5 =	simm.s32 @!p2 $0x0  }
0x1d: {  	s5 =	simm.s32 @p1 $0x1;
	p0 =	seq.s32 s7, s2  }
0x1e: {  	s7 =	smul.u32 @!p0 $0xF7A, s2;
	p2 =	seq.s32 @!p0 s5, $0x0  }
0x1f: {  	s9 =	smul.u32 $0xF7A, s1;
	s8 =	simm.s32 @!p0 $0x1BF5;
	p2 =	por !p2, p0  }
0x20: {  	[sflag:s8] =	ssyncset.s32 @!p0 $0xFFFFF086;
	s6 =	sadd.s32 @!p0 s3, s7;
	s7 =	simm.s32 @!p0 $0x108  }
0x21: {  	s3 =	sadd.s32 s3, s9;
	s6 =	sadd.s32 @!p0 $0x88, s6;
	s7 =	simm.s32 @p2 $0x1082  }
0x22: {  	[simem:s7], [sflag:s8] =	dma.local @!p0 [hbm:s6], $0xF7A  }
0x23: {  	s9 =	sor.u32 $0xD0000000, s2;
	s6 =	simm.s32 $0x108;
	_ =	swait.ge @!p0 [sflag:s8], $0x0  }
0x24: {  	s3 =	sadd.s32 $0x88, s3;
	s6 =	simm.s32 @!p1 $0x1082;
	[sflag:s4] =	ssyncset.s32 $0xFFFFF086  }
0x25: {  	[simem:s6], [sflag:s4] =	dma.local [hbm:s3], $0xF7A  }
0x26: {  	[smem:$0x3FA0] =	sst s1;
	(tag) =	ssettag s2;
	_ =	strace s9  }
0x27: {  	s1 =	sld [smem:$0x3FB0]  }
0x28: {  	s2 =	sld [smem:$0x3FB1]  }
0x29: {  	s4 =	sld [smem:$0x3FB3]  }
0x2a: {  	p0 =	seq.s32 s5, $0x0;
	s5 =	sld [smem:$0x3FB4]  }
0x2b: {  	s6 =	sld [smem:$0x3FB5]  }
0x2c: {  	s7 =	sld [smem:$0x3FB6]  }
0x2d: {  	s3 =	simm.s32 $0x108;
	s8 =	sld [smem:$0x3FB7]  }
0x2e: {  	s3 =	simm.s32 @!p0 $0x1082;
	s9 =	sld [smem:$0x3FB8]  }
0x2f: {  	lr =	sadd.s32 s0, s3;
	s0 =	sld [smem:$0x3FAF]  }
0x30: {  	s3 =	sld [smem:$0x3FB2]  }
0x31: {  	[smem:$0x3FBB] =	sst s10  }
0x32: {  	s10 =	sld [smem:$0x3FB9];
	_ =	sdelay $0x3  }
0x33: {  	p0 =	seq.s32 s10, $0x1;
	s10 =	sld [smem:$0x3FBB];
	_ =	sdelay $0x3  }
0x34: {  	[smem:$0x3FBB] =	sst s10  }
0x35: {  	s10 =	sld [smem:$0x3FBA];
	_ =	sdelay $0x3  }
0x36: {  	p1 =	seq.s32 s10, $0x1;
	s10 =	sld [smem:$0x3FBB];
	_ =	sdelay $0x3  }
0x37: {  	[smem:$0x3FBB] =	sst s10  }
0x38: {  	s10 =	sld [smem:$0x3FBC]  }
0x39: {  	_ = 	snop;
	(pc) =	sbr.ind lr, $3  }
0x3a: {  	_ = 	snop  }
0x3b: {  	_ = 	snop  }
0x3c: {  	p2 =	seq.s32 s10, $0x1;
	s10 =	sld [smem:$0x3FBB]  }
0x3d: {  	_ =	shalt  }
0x3e: {  	_ =	shalt  }
0x3f: {  	_ =	shalt  }
0x40: {  	_ =	shalt  }
0x41: {  	_ =	shalt  }
0x42: {  	_ =	shalt  }
0x43: {  	_ =	shalt  }
0x44: {  	_ =	shalt  }
0x45: {  	_ =	shalt  }
0x46: {  	_ =	shalt  }
0x47: {  	_ =	shalt  }
0x48: {  	_ =	shalt  }
0x49: {  	_ =	shalt  }
0x4a: {  	_ =	shalt  }
0x4b: {  	_ =	shalt  }
0x4c: {  	_ =	shalt  }
0x4d: {  	_ =	shalt  }
0x4e: {  	_ =	shalt  }
0x4f: {  	_ =	shalt  }
0x50: {  	_ =	shalt  }
0x51: {  	_ =	shalt  }
0x52: {  	_ =	shalt  }
0x53: {  	_ =	shalt  }
0x54: {  	_ =	shalt  }
0x55: {  	_ =	shalt  }
0x56: {  	_ =	shalt  }
0x57: {  	_ =	shalt  }
0x58: {  	_ =	shalt  }
0x59: {  	_ =	shalt  }
0x5a: {  	_ =	shalt  }
0x5b: {  	_ =	shalt  }
0x5c: {  	_ =	shalt  }
0x5d: {  	_ =	shalt  }
0x5e: {  	_ =	shalt  }
0x5f: {  	_ =	shalt  }
0x60: {  	_ =	shalt  }
0x61: {  	_ =	shalt  }
0x62: {  	_ =	shalt  }
0x63: {  	_ =	shalt  }
0x64: {  	_ =	shalt  }
0x65: {  	_ =	shalt  }
0x66: {  	_ =	shalt  }
0x67: {  	_ =	shalt  }
0x68: {  	_ =	shalt  }
0x69: {  	_ =	shalt  }
0x6a: {  	_ =	shalt  }
0x6b: {  	_ =	shalt  }
0x6c: {  	_ =	shalt  }
0x6d: {  	_ =	shalt  }
0x6e: {  	_ =	shalt  }
0x6f: {  	_ =	shalt  }
0x70: {  	_ =	shalt  }
0x71: {  	_ =	shalt  }
0x72: {  	_ =	shalt  }
0x73: {  	_ =	shalt  }
0x74: {  	_ =	shalt  }
0x75: {  	_ =	shalt  }
0x76: {  	_ =	shalt  }
0x77: {  	_ =	shalt  }
0x78: {  	_ =	shalt  }
0x79: {  	_ =	shalt  }
0x7a: {  	_ =	shalt  }
0x7b: {  	_ =	shalt  }
0x7c: {  	_ =	shalt  }
0x7d: {  	_ =	shalt  }
0x7e: {  	_ =	shalt  }
0x7f: {  	_ =	shalt  }
0x80: {  	_ =	shalt  }
0x81: {  	_ =	shalt  }
0x82: {  	_ =	shalt  }
0x83: {  	_ =	shalt  }
0x84: {  	_ =	shalt  }
0x85: {  	_ =	shalt  }
0x86: {  	_ =	shalt  }
0x87: {  	_ =	shalt  }
.Lfunc_end0:
.L_simem_size_0:
called_computation_lowered:
.L_overlay_start_0:
0x88: {  	s2 =	sld [smem:$0x3FD9]  }
0x89: {  	s3 =	sld [smem:$0x3FFE];
	_ =	sdelay $0x1  }
0x8a: {  	s1 =	srdreg.scid  }
0x8b: {  	s0 =	sand.u32 $0x1, s1  }
0x8c: {  	s18 =	sshll.u32 s0, $0xA;
	s2 =	sadd.s32 s3, s2  }
0x8d: {  	s2 =	sadd.s32 s2, s18  }
0x8e: {  	[smem:$0x3FC7] =	sst s2  }
0x8f: {  	_ = 	snop  }
0x90: {  	s2 =	sld [smem:$0x3FC9]  }
0x91: {  	s19 =	sld [smem:$0x3FD0];
	(tm) =	ssettm $0x1  }
0x92: {  	s4 =	sld [smem:$0x3FFB];
	_ =	sdelay $0x3  }
0x93: {  	_ =	strace s4  }
0x94: {  	s4 =	sld [smem:$0x3FFC];
	_ =	sdelay $0x3  }
0x95: {  	_ =	strace s4  }
0x96: {  	s4 =	sld [smem:$0x3FFD];
	_ =	sdelay $0x3  }
0x97: {  	_ =	strace s4  }
0x98: {  	_ =	strace $0x8FFFFFFF  }
0x99: {  	s20 =	sld [smem:$0x3FDB];
	_ =	sdelay $0x1  }
0x9a: {  	s5 =	simm.s32 $_scs_section_size  }
0x9b: {  	s6 =	simm.s32 $_size__tile_overlayer_lowered;
	s7 =	simm.s32 $_tile_overlayer_lowered  }
0x9c: {  	s23 =	simm.s32 $0x1BFF;
	s22 =	sshll.u32 s7, $0x1;
	s4 =	sadd.s32 s5, s20  }
0x9d: {  	s8 =	simm.s32 $0x0;
	s21 =	sshll.u32 s6, $0x1;
	s6 =	sadd.s32 s22, s4  }
0x9e: {  	[timem:s8], [sflag:s23] =	dma.local [hbm:s6], s21  }
0x9f: {  	_ =	swait.ge [sflag:s23], s21  }
0xa0: {  	s5 =	ssub.s32 $0x0, s21;
	[sflag:s23] =	ssyncset.done $0x0  }
0xa1: {  	[sflag:s23] =	ssyncadd.s32 s5;
	_ =	sdelay $0x1  }
0xa2: {  	s24 =	simm.s32 $0x1B8B  }
0xa3: {  	_ =	swait.ge [sflag:s24], $0x1  }
0xa4: {  	[sflag:s24] =	ssyncset.done $0x0  }
0xa5: {  	s25 =	simm.s32 $0x1B8E;
	[sflag:s24] =	ssyncadd.s32 $0xFFFFFFFF  }
0xa6: {  	s26 =	simm.s32 $execute0_lowered;
	[smem:$0x3FD2] =	sst s25  }
0xa7: {  	s5 =	sshll.u32 s26, $0x1;
	_ =	strace $0x80000046;
	[dreg:$0x1] =	wrdreg $0xFFFFFFFF  }
0xa8: {  	s28 =	simm.s32 $_size_execute0_lowered;
	s4 =	sadd.s32 s4, s5;
	[dreg:$0x0] =	wrdreg $0x0  }
0xa9: {  	s5 =	sshll.u32 s28, $0x1;
	[dreg:$0x2] =	wrdreg s4  }
0xaa: {  	[dreg:$0x3] =	wrdreg s5  }
0xab: {  	[dreg:$0x4] =	wrdreg $0xC0  }
0xac: {  	_ =	task [dreg:s8], $0x5FFFF  }
0xad: {  	[dreg:$0x1] =	wrdreg $0xFFFFFFFF  }
0xae: {  	[dreg:$0x0] =	wrdreg $0x60  }
0xaf: {  	[dreg:$0x2] =	wrdreg s2  }
0xb0: {  	[dreg:$0x3] =	wrdreg s19  }
0xb1: {  	[dreg:$0x4] =	wrdreg $0x9  }
0xb2: {  	_ =	task.clear_ibuf [dreg:s8], $0x5FFFF;
	_ =	strace $0x90000046  }
0xb3: {  	s29 =	simm.s32 $0x9;
	_ =	strace $0x80000048  }
0xb4: {  	_ =	swait.ge [sflag:s29], $0x1  }
0xb5: {  	[sflag:s29] =	ssyncadd.s32 $0xFFFFFFFF  }
0xb6: {  	_ =	strace $0x90000048  }
0xb7: {  	_ =	sfence  }
0xb8: {  	s30 =	sld [smem:$0x0];
	_ =	sdelay $0x2  }
0xb9: {  	s31 =	sshll.u32 s1, $0xD;
	s1 =	sshrl.u32 s1, $0x2  }
0xba: {  	s3 =	sand.u32 $0x4000, s31;
	s1 =	sadd.s32 s1, s30  }
0xbb: {  	s0 =	sor.u32 s3, s0;
	s1 =	sshll.u32 s1, $0x11  }
0xbc: {  	s0 =	sor.u32 s1, s0  }
0xbd: {  	s0 =	sadd.s32 $0x8F2B, s0  }
0xbe: {  	[sflag:s0] =	ssyncadd.remote.s32 $0x1  }
0xbf: {  	_ =	sfence.sel $0xFFFF  }
0xc0: {  	[dreg:$0x0] =	wrdreg $0xFFFFFFFF;
	(pc) =	sbr.abs _section_cstart, $3  }
0xc1: {  	[dreg:$0x1] =	wrdreg $0xFFFFFFFF  }
0xc2: {  	_ =	task.clear_ibuf [dreg:s8], $0x2FFFF;
	_ =	strace $0x9FFFFFFF  }
0xc3: {  	(tm) =	ssettm $0x7FFFFFFF  }
tec
execute0_lowered:
.L_overlay_start_1:
0x0: {  	(tag) =	ssettag $0x1  }
0x1: {  	s1 =	srdreg.scid;
	s0 =	stileid.u32  }
0x2: {  	s5 =	sand.u32 $0x1, s1;
	s31 =	sshll.u32 s0, $0x1  }
0x3: {  	s3 =	sor.u32 s5, s31  }
0x4: {  	p2 =	sgt.s32 s3, $0x1  }
0x5: {  	p0 =	seq.s32 @p2 s3, $0x2  }
0x6: {  	s2 =	rddreg [dreg:$0x0];
	s4 =	simm.s32 $0x0;
	p0 =	por !p0, !p2  }
0x7: {  	[smem:$0x7FF] =	sst s4;
	s1 =	simm.s32 @!p0 $0x0  }
0x8: {  	s6 =	rddreg [dreg:$0x1];
	_ =	strace $0x80000047;
	s1 =	simm.s32 @p0 $0x1  }
0x9: {  	p1 =	seq.s32 @!p2 s3, $0x0;
	[smem:$0x7F2] =	sst s1;
	s1 =	simm.s32 @!p2 $0x0  }
0xa: {  	p0 =	por !p1, p2;
	s1 =	simm.s32 @p2 $0x1  }
0xb: {  	p2 =	sgt.s32 s3, $0x5;
	[smem:$0x7F3] =	sst s1;
	s1 =	simm.s32 @!p0 $0x0  }
0xc: {  	s1 =	simm.s32 @p0 $0x1;
	p0 =	seq.s32 @p2 s3, $0x6  }
0xd: {  	s11 =	simm.s32 $0x2;
	s12 =	simm.s32 $0x3;
	p0 =	por !p0, !p2  }
0xe: {  	s13 =	simm.s32 $0x4;
	[smem:$0x7F4] =	sst s1;
	s1 =	simm.s32 @!p0 $0x0  }
0xf: {  	s14 =	simm.s32 $0x5;
	s15 =	simm.s32 $0x0;
	s1 =	simm.s32 @p0 $0x1  }
0x10: {  	p1 =	seq.s32 @!p2 s3, $0x4;
	[smem:$0x7F5] =	sst s1;
	s1 =	simm.s32 @!p2 $0x0  }
0x11: {  	s5 =	ssub.s32 $0x2, s5;
	p0 =	por !p1, p2;
	s1 =	simm.s32 @p2 $0x1  }
0x12: {  	s7 =	smul.u32 $0xFA00, s3;
	[smem:$0x7F6] =	sst s1;
	s1 =	simm.s32 @!p0 $0x0  }
0x13: {  	p3 =	sgt.s32 s3, $0x9;
	p5 =	sgt.s32 s3, $0xD;
	s1 =	simm.s32 @p0 $0x1  }
0x14: {  	p1 =	seq.s32 @!p5 s3, $0xC;
	p0 =	seq.s32 @p3 s3, $0xA;
	[smem:$0x7F7] =	sst s1  }
0x15: {  	p2 =	por !p0, !p3;
	p0 =	seq.s32 @!p3 s3, $0x8;
	s1 =	simm.s32 @!p3 $0x0  }
0x16: {  	s1 =	simm.s32 @p3 $0x1;
	p3 =	por !p0, p3;
	p0 =	seq.s32 @p5 s3, $0xE  }
0x17: {  	[smem:$0x7F8] =	sst s1;
	p4 =	por !p0, !p5;
	s1 =	simm.s32 @!p5 $0x0  }
0x18: {  	p0 =	por !p1, p5;
	p1 =	sgt.s32 s3, $0x7;
	s1 =	simm.s32 @p5 $0x1  }
0x19: {  	s8 =	smul.u32 $0x3E80, s3;
	[smem:$0x7F9] =	sst s1;
	s1 =	simm.s32 @!p1 $0x0  }
0x1a: {  	s9 =	sshrl.u32 s5, $0x1;
	s1 =	simm.s32 @p1 $0x1;
	p1 =	sgt.s32 s3, $0x3  }
0x1b: {  	p6 =	sgt.s32 s3, $0xF;
	[smem:$0x7FA] =	sst s1;
	s1 =	simm.s32 @!p1 $0x0  }
0x1c: {  	s9 =	ssub.s32 s5, s9;
	s1 =	simm.s32 @p1 $0x1;
	p1 =	sgt.s32 s3, $0xB  }
0x1d: {  	s7 =	sshrl.u32 s7, $0x2;
	[smem:$0x7FB] =	sst s1;
	s1 =	simm.s32 @!p1 $0x0  }
0x1e: {  	s5 =	sadd.s32 s6, s8;
	s9 =	smax.u32 s9, $0x1;
	s1 =	simm.s32 @p1 $0x1  }
0x1f: {  	s10 =	sadd.s32 s6, s7;
	[smem:$0x7FC] =	sst s1;
	s1 =	simm.s32 @!p6 $0x0  }
0x20: {  	s6 =	sadd.s32 $0xFA0, s10;
	s7 =	sadd.s32 $0x1F40, s10;
	s1 =	simm.s32 @p6 $0x1  }
0x21: {  	s8 =	sadd.s32 $0x2EE0, s10;
	s10 =	simm.s32 $0x1;
	[smem:$0x7FD] =	sst s1  }
.LBB2_1:
.Ltmp0:
0x22: {  	(pc) =	sbr.rel @p6 .LBB2_9-.Ltmp0, $1  }
0x23: {  	_ =	sdelay $0x3  }
0x24: {  	s1 =	sld [smem:$0x7FA];
	_ =	sdelay $0x2  }
0x25: {  	p1 =	seq.s32 s1, $0x1  }
.Ltmp1:
0x26: {  	_ = 	snop;
	(pc) =	sbr.rel @p1 .LBB2_6-.Ltmp1, $1  }
0x27: {  	_ =	sdelay $0x3  }
0x28: {  	s1 =	sld [smem:$0x7FB];
	_ =	sdelay $0x2  }
0x29: {  	p1 =	seq.s32 s1, $0x1  }
.Ltmp2:
0x2a: {  	_ = 	snop;
	(pc) =	sbr.rel @p1 .LBB2_5-.Ltmp2, $1  }
0x2b: {  	_ =	sdelay $0x3  }
0x2c: {  	s1 =	sld [smem:$0x7F2]  }
0x2d: {  	s21 =	simm.s32 $0x4A380;
	s20 =	simm.s32 $0x128E00;
	s16 =	sld [smem:$0x7F4]  }
0x2e: {  	s22 =	simm.s32 $0x1CCF00;
	s19 =	simm.s32 $0xD2F00;
	s17 =	simm.s32 $0x34BC0  }
0x2f: {  	s23 =	simm.s32 $0x4A380;
	s18 =	simm.s32 $0x128E0;
	p1 =	seq.s32 s1, $0x1  }
0x30: {  	[smem:$0x7F1] =	sst s0;
	s24 =	simm.s32 @!p1 $0x704E0;
	s26 =	simm.s32 @!p1 $0x1D8A80  }
0x31: {  	s25 =	simm.s32 @!p1 $0x222E0;
	s28 =	simm.s32 @!p1 $0x17700;
	s29 =	simm.s32 @!p1 $0x1C1380  }
0x32: {  	s30 =	simm.s32 @!p1 $0x88B80;
	s31 =	simm.s32 @!p1 $0x5DC0;
	s1 =	simm.s32 @!p1 $0x762A0  }
0x33: {  	s26 =	simm.s32 @p1 $0x59D80;
	s29 =	simm.s32 @p1 $0xE2900;
	s28 =	simm.s32 @p1 $0x3E800  }
0x34: {  	s30 =	simm.s32 @p1 $0x52080;
	s25 =	simm.s32 @p1 $0x14820;
	s31 =	simm.s32 @p1 $0xFA00  }
0x35: {  	s24 =	simm.s32 @p1 $0x38A40;
	s1 =	simm.s32 @p1 $0x16760;
	p1 =	seq.s32 s16, $0x1  }
0x36: {  	s0 =	sld [smem:$0x7F3];
	s16 =	simm.s32 $0x733C0;
	s21 =	simm.s32 @p1 $0x15F900  }
0x37: {  	s20 =	simm.s32 @p1 $0x75300;
	s22 =	simm.s32 @p1 $0x1B580;
	s19 =	simm.s32 @p1 $0x177000  }
.Ltmp3:
0x38: {  	s17 =	simm.s32 @p1 $0x5DC00;
	s16 =	simm.s32 @p1 $0x6D60;
	(pc) =	sbr.rel .LBB2_16-.Ltmp3, $4  }
0x39: {  	s23 =	simm.s32 @p1 $0x1D4C0;
	s18 =	simm.s32 @p1 $0x57E40;
	p1 =	seq.s32 s0, $0x1  }
0x3a: {  	s0 =	sld [smem:$0x7F1];
	s21 =	smov.u32 @p1 s26;
	s20 =	smov.u32 @p1 s29  }
0x3b: {  	s22 =	smov.u32 @p1 s28;
	s19 =	smov.u32 @p1 s30;
	s17 =	smov.u32 @p1 s25  }
0x3c: {  	s16 =	smov.u32 @p1 s31;
	s23 =	smov.u32 @p1 s24;
	s18 =	smov.u32 @p1 s1  }
.LBB2_9:
0x3d: {  	p1 =	sgt.s32 s3, $0x17  }
.Ltmp4:
0x3e: {  	_ = 	snop;
	(pc) =	sbr.rel @p1 .LBB2_13-.Ltmp4, $1  }
0x3f: {  	_ =	sdelay $0x3  }
0x40: {  	p1 =	sgt.s32 s3, $0x13  }
.Ltmp5:
0x41: {  	_ = 	snop;
	(pc) =	sbr.rel @p1 .LBB2_12-.Ltmp5, $1  }
0x42: {  	_ =	sdelay $0x3  }
0x43: {  	p1 =	sgt.s32 s3, $0x11  }
0x44: {  	p5 =	seq.s32 @p1 s3, $0x12  }
0x45: {  	p6 =	seq.s32 @!p1 s3, $0x10;
	p5 =	por !p5, !p1  }
0x46: {  	p6 =	por !p6, p1;
	s1 =	simm.s32 @!p5 $0x2BF20;
	s24 =	simm.s32 @!p5 $0x2FDA0  }
0x47: {  	s25 =	simm.s32 @!p5 $0x203A0;
	s26 =	simm.s32 @!p5 $0x48440;
	s28 =	simm.s32 @!p5 $0xAFC80  }
0x48: {  	s29 =	simm.s32 @!p5 $0x80E80;
	s30 =	simm.s32 @!p5 $0xBF680;
	s31 =	simm.s32 @!p5 $0x121100  }
0x49: {  	s18 =	simm.s32 @!p6 $0x58DE0;
	s16 =	simm.s32 @!p6 $0x17700;
	s19 =	simm.s32 @!p6 $0x1B9680  }
0x4a: {  	s20 =	simm.s32 @!p6 $0x1B1980;
	s21 =	simm.s32 @!p6 $0x163780  }
0x4b: {  	s22 =	simm.s32 @!p6 $0x5DC00;
	s17 =	simm.s32 @!p6 $0x6E5A0;
	s23 =	simm.s32 @!p6 $0x6C660  }
0x4c: {  	s28 =	simm.s32 @p5 $0xD6D80;
	s30 =	simm.s32 @p5 $0xEA600;
	s29 =	simm.s32 @p5 $0x1D0D80  }
0x4d: {  	s31 =	simm.s32 @p5 $0xDEA80;
	s26 =	simm.s32 @p5 $0x37AA0;
	s25 =	simm.s32 @p5 $0x74360  }
0x4e: {  	s24 =	simm.s32 @p5 $0x3A980;
	s1 =	simm.s32 @p5 $0x35B60;
	s21 =	simm.s32 @p6 $0x3E80  }
0x4f: {  	s20 =	simm.s32 @p6 $0xFDE80;
	s22 =	simm.s32 @p6 $0xBB800;
	s19 =	simm.s32 @p6 $0x13880  }
.Ltmp6:
0x50: {  	s17 =	simm.s32 @p6 $0x4E20;
	s16 =	simm.s32 @p6 $0x2EE00;
	(pc) =	sbr.rel .LBB2_16-.Ltmp6, $4  }
0x51: {  	s23 =	simm.s32 @p6 $0x3F7A0;
	s19 =	smov.u32 @p1 s31;
	s31 =	sld [smem:$0x7FD]  }
0x52: {  	s18 =	simm.s32 @p6 $0xFA0;
	s21 =	smov.u32 @p1 s28;
	s20 =	smov.u32 @p1 s30  }
0x53: {  	s22 =	smov.u32 @p1 s29;
	s17 =	smov.u32 @p1 s26;
	s16 =	smov.u32 @p1 s25  }
0x54: {  	s23 =	smov.u32 @p1 s24;
	s18 =	smov.u32 @p1 s1;
	p6 =	seq.s32 s31, $0x1  }
.LBB2_6:
0x55: {  	s1 =	sld [smem:$0x7FC];
	_ =	sdelay $0x2  }
0x56: {  	p1 =	seq.s32 s1, $0x1  }
.Ltmp7:
0x57: {  	_ = 	snop;
	(pc) =	sbr.rel @p1 .LBB2_8-.Ltmp7, $1  }
0x58: {  	_ =	sdelay $0x3  }
0x59: {  	s1 =	simm.s32 @!p2 $0x52080;
	s24 =	simm.s32 @!p2 $0x4C2C0  }
0x5a: {  	s25 =	simm.s32 @!p2 $0x134980;
	s28 =	simm.s32 @!p2 $0x148200  }
0x5b: {  	s26 =	simm.s32 @!p2 $0xC3500;
	s29 =	simm.s32 @!p2 $0x130B00;
	s30 =	simm.s32 @!p2 $0x30D40  }
0x5c: {  	s31 =	simm.s32 @!p2 $0x4D260;
	s18 =	simm.s32 @!p3 $0x3D860;
	s16 =	simm.s32 @!p3 $0x13880  }
0x5d: {  	s19 =	simm.s32 @!p3 $0x15BA80;
	s20 =	simm.s32 @!p3 $0xCB200;
	s21 =	simm.s32 @!p3 $0xF6180  }
0x5e: {  	s22 =	simm.s32 @!p3 $0x4E200;
	s17 =	simm.s32 @!p3 $0x56EA0;
	s23 =	simm.s32 @!p3 $0x32C80  }
0x5f: {  	s25 =	simm.s32 @p2 $0x119400;
	s28 =	simm.s32 @p2 $0x144380  }
0x60: {  	s26 =	simm.s32 @p2 $0xA4100;
	s29 =	simm.s32 @p2 $0xF2300;
	s24 =	simm.s32 @p2 $0x3C8C0  }
0x61: {  	s30 =	simm.s32 @p2 $0x29040;
	s1 =	simm.s32 @p2 $0x510E0;
	[smem:$0x7F1] =	sst s0  }
0x62: {  	s31 =	simm.s32 @p2 $0x46500;
	s21 =	simm.s32 @p3 $0x173180;
	s0 =	sld [smem:$0x7F8]  }
0x63: {  	s20 =	simm.s32 @p3 $0xABE00;
	s22 =	simm.s32 @p3 $0xB7980;
	s19 =	simm.s32 @p3 $0x1E0780  }
.Ltmp8:
0x64: {  	s17 =	simm.s32 @p3 $0x781E0;
	s16 =	simm.s32 @p3 $0x2DE60;
	(pc) =	sbr.rel .LBB2_16-.Ltmp8, $4  }
0x65: {  	s23 =	simm.s32 @p3 $0x2AF80;
	s18 =	simm.s32 @p3 $0x5CC60;
	p1 =	seq.s32 s0, $0x1  }
0x66: {  	s0 =	sld [smem:$0x7F1];
	s21 =	smov.u32 @p1 s25;
	s20 =	smov.u32 @p1 s28  }
0x67: {  	s22 =	smov.u32 @p1 s26;
	s19 =	smov.u32 @p1 s29;
	s17 =	smov.u32 @p1 s24  }
0x68: {  	s16 =	smov.u32 @p1 s30;
	s23 =	smov.u32 @p1 s1;
	s18 =	smov.u32 @p1 s31  }
.LBB2_13:
0x69: {  	p1 =	sgt.s32 s3, $0x1B  }
.Ltmp9:
0x6a: {  	_ = 	snop;
	(pc) =	sbr.rel @p1 .LBB2_15-.Ltmp9, $1  }
0x6b: {  	_ =	sdelay $0x3  }
0x6c: {  	p1 =	sgt.s32 s3, $0x19  }
0x6d: {  	p5 =	seq.s32 @p1 s3, $0x1A  }
0x6e: {  	p5 =	por !p5, !p1  }
0x6f: {  	p6 =	seq.s32 @!p1 s3, $0x18;
	s1 =	simm.s32 @!p5 $0x7A120  }
0x70: {  	s24 =	simm.s32 @!p5 $0x62A20;
	s25 =	simm.s32 @!p5 $0x59D80;
	s26 =	simm.s32 @!p5 $0x1B580  }
0x71: {  	p6 =	por !p6, p1;
	s28 =	simm.s32 @!p5 $0x1E8480;
	s29 =	simm.s32 @!p5 $0x167600  }
0x72: {  	s30 =	simm.s32 @!p5 $0x18A880;
	s31 =	simm.s32 @!p5 $0x6D600;
	s18 =	simm.s32 @!p6 $0x75300  }
0x73: {  	s16 =	simm.s32 @!p6 $0x109A0;
	s19 =	simm.s32 @!p6 $0xE6780;
	s20 =	simm.s32 @!p6 $0x115580  }
0x74: {  	s21 =	simm.s32 @!p6 $0x1D4C00;
	s22 =	simm.s32 @!p6 $0x42680;
	s17 =	simm.s32 @!p6 $0x399E0  }
0x75: {  	s23 =	simm.s32 @!p6 $0x45560;
	s28 =	simm.s32 @p5 $0xB3B00;
	s30 =	simm.s32 @p5 $0x23280  }
0x76: {  	s29 =	simm.s32 @p5 $0x196400;
	s31 =	simm.s32 @p5 $0x1C9080  }
0x77: {  	s26 =	simm.s32 @p5 $0x72420;
	s25 =	simm.s32 @p5 $0x65900;
	s24 =	simm.s32 @p5 $0x8CA0  }
0x78: {  	s21 =	simm.s32 @p6 $0x17ED00;
	s20 =	simm.s32 @p6 $0x1A5E00  }
0x79: {  	s1 =	simm.s32 @p5 $0x2CEC0;
	s22 =	simm.s32 @p6 $0x1BD500;
	s19 =	simm.s32 @p6 $0x8CA00  }
.Ltmp10:
0x7a: {  	s17 =	simm.s32 @p6 $0x23280;
	s16 =	simm.s32 @p6 $0x6F540;
	(pc) =	sbr.rel .LBB2_16-.Ltmp10, $4  }
0x7b: {  	s23 =	simm.s32 @p6 $0x69780;
	s19 =	smov.u32 @p1 s31;
	s31 =	sld [smem:$0x7FD]  }
0x7c: {  	s18 =	simm.s32 @p6 $0x5FB40;
	s21 =	smov.u32 @p1 s28;
	s20 =	smov.u32 @p1 s30  }
0x7d: {  	s22 =	smov.u32 @p1 s29;
	s17 =	smov.u32 @p1 s26;
	s16 =	smov.u32 @p1 s25  }
0x7e: {  	s23 =	smov.u32 @p1 s24;
	s18 =	smov.u32 @p1 s1;
	p6 =	seq.s32 s31, $0x1  }
.LBB2_5:
0x7f: {  	s1 =	sld [smem:$0x7F5]  }
0x80: {  	s16 =	sld [smem:$0x7F7];
	_ =	sdelay $0x1  }
0x81: {  	[smem:$0x7F1] =	sst s0  }
0x82: {  	p1 =	seq.s32 s1, $0x1;
	p5 =	seq.s32 s16, $0x1;
	s0 =	sld [smem:$0x7F6]  }
0x83: {  	s1 =	simm.s32 @!p1 $0x1F400;
	s24 =	simm.s32 @!p1 $0x24220;
	s25 =	simm.s32 @!p1 $0x65900  }
0x84: {  	s26 =	simm.s32 @!p1 $0xFA000;
	s28 =	simm.s32 @!p1 $0x7D000;
	s29 =	simm.s32 @!p1 $0x90880  }
0x85: {  	s30 =	simm.s32 @!p1 $0x3E800;
	s31 =	simm.s32 @!p1 $0x19640;
	s18 =	simm.s32 @!p5 $0x4B320  }
0x86: {  	s16 =	simm.s32 @!p5 $0x71480;
	s19 =	simm.s32 @!p5 $0xEE480;
	s20 =	simm.s32 @!p5 $0x16F300  }
0x87: {  	s21 =	simm.s32 @!p5 $0x12CC80;
	s22 =	simm.s32 @!p5 $0x1C5200  }
0x88: {  	s17 =	simm.s32 @!p5 $0x3B920;
	s23 =	simm.s32 @!p5 $0x5BCC0;
	s25 =	simm.s32 @p1 $0xDAC00  }
0x89: {  	s28 =	simm.s32 @p1 $0xC7380;
	s26 =	simm.s32 @p1 $0x7D00;
	s29 =	simm.s32 @p1 $0x1DC900  }
0x8a: {  	s24 =	simm.s32 @p1 $0x77240;
	s30 =	simm.s32 @p1 $0x1F40;
	s1 =	simm.s32 @p1 $0x31CE0  }
0x8b: {  	s31 =	simm.s32 @p1 $0x36B00;
	s21 =	simm.s32 @p5 $0x94700;
	s20 =	simm.s32 @p5 $0xBB80  }
0x8c: {  	s22 =	simm.s32 @p5 $0x19A280;
	s19 =	simm.s32 @p5 $0x13C680  }
.Ltmp11:
0x8d: {  	s17 =	simm.s32 @p5 $0x4F1A0;
	s16 =	simm.s32 @p5 $0x668A0;
	(pc) =	sbr.rel .LBB2_16-.Ltmp11, $4  }
0x8e: {  	s23 =	simm.s32 @p5 $0x2EE0;
	s18 =	simm.s32 @p5 $0x251C0;
	p1 =	seq.s32 s0, $0x1  }
0x8f: {  	s0 =	sld [smem:$0x7F1];
	s21 =	smov.u32 @p1 s25;
	s20 =	smov.u32 @p1 s28  }
0x90: {  	s22 =	smov.u32 @p1 s26;
	s19 =	smov.u32 @p1 s29;
	s17 =	smov.u32 @p1 s24  }
0x91: {  	s16 =	smov.u32 @p1 s30;
	s23 =	smov.u32 @p1 s1;
	s18 =	smov.u32 @p1 s31  }
.LBB2_12:
0x92: {  	p1 =	sgt.s32 s3, $0x15  }
0x93: {  	p5 =	seq.s32 @p1 s3, $0x16  }
0x94: {  	p5 =	por !p5, !p1  }
0x95: {  	p6 =	seq.s32 @!p1 s3, $0x14;
	s1 =	simm.s32 @!p5 $0x27100;
	s24 =	simm.s32 @!p5 $0x416E0  }
0x96: {  	s25 =	simm.s32 @!p5 $0x55F00;
	s26 =	simm.s32 @!p5 $0x639C0;
	s28 =	simm.s32 @!p5 $0x9C400  }
0x97: {  	p6 =	por !p6, p1;
	s29 =	simm.s32 @!p5 $0x157C00;
	s30 =	simm.s32 @!p5 $0x105B80  }
0x98: {  	s31 =	simm.s32 @!p5 $0x18E700;
	s18 =	simm.s32 @!p6 $0x79180;
	s16 =	simm.s32 @!p6 $0x6D600  }
0x99: {  	s19 =	simm.s32 @!p6 $0x27100;
	s20 =	simm.s32 @!p6 $0x69780;
	s21 =	simm.s32 @!p6 $0x1E4600  }
0x9a: {  	s22 =	simm.s32 @!p6 $0x1B5800;
	s17 =	simm.s32 @!p6 $0x9C40;
	s23 =	simm.s32 @!p6 $0x1A5E0  }
0x9b: {  	s28 =	simm.s32 @p5 $0x1A1F80;
	s30 =	simm.s32 @p5 $0x101D00  }
0x9c: {  	s29 =	simm.s32 @p5 $0x138800;
	s31 =	simm.s32 @p5 $0x186A00  }
0x9d: {  	s26 =	simm.s32 @p5 $0x61A80;
	s25 =	simm.s32 @p5 $0x4E200;
	s24 =	simm.s32 @p5 $0x40740  }
0x9e: {  	s21 =	simm.s32 @p6 $0x16B480;
	s20 =	simm.s32 @p6 $0x109A00  }
0x9f: {  	s1 =	simm.s32 @p5 $0x687E0;
	s22 =	simm.s32 @p6 $0x3A980;
	s19 =	simm.s32 @p6 $0x11D280  }
.Ltmp12:
0xa0: {  	s17 =	simm.s32 @p6 $0x474A0;
	s16 =	simm.s32 @p6 $0xEA60;
	(pc) =	sbr.rel .LBB2_16-.Ltmp12, $4  }
0xa1: {  	s23 =	simm.s32 @p6 $0x42680;
	s19 =	smov.u32 @p1 s31;
	s31 =	sld [smem:$0x7FD]  }
0xa2: {  	s18 =	simm.s32 @p6 $0x5AD20;
	s21 =	smov.u32 @p1 s28;
	s20 =	smov.u32 @p1 s30  }
0xa3: {  	s22 =	smov.u32 @p1 s29;
	s17 =	smov.u32 @p1 s26;
	s16 =	smov.u32 @p1 s25  }
0xa4: {  	s23 =	smov.u32 @p1 s24;
	s18 =	smov.u32 @p1 s1;
	p6 =	seq.s32 s31, $0x1  }
.LBB2_8:
0xa5: {  	s1 =	simm.s32 @!p4 $0x6B6C0  }
0xa6: {  	s24 =	simm.s32 @!p4 $0x445C0;
	s25 =	simm.s32 @!p4 $0x182B80;
	s26 =	simm.s32 @!p4 $0x84D00  }
0xa7: {  	s28 =	simm.s32 @!p4 $0x1ADB00;
	s29 =	simm.s32 @!p4 $0x111700  }
0xa8: {  	s30 =	simm.s32 @!p4 $0x21340;
	s31 =	simm.s32 @!p4 $0x60AE0;
	s18 =	simm.s32 @!p0 $0x43620  }
0xa9: {  	s17 =	simm.s32 @!p0 $0x7D00;
	s19 =	simm.s32 @!p0 $0x1F400;
	s20 =	simm.s32 @!p0 $0xCF080  }
0xaa: {  	s21 =	simm.s32 @!p0 $0x10D880;
	s22 =	simm.s32 @!p0 $0x0;
	s23 =	simm.s32 @!p0 $0x33C20  }
0xab: {  	s16 =	simm.s32 @!p0 $0x0;
	s28 =	simm.s32 @p4 $0x192580;
	s26 =	simm.s32 @p4 $0x14FF00  }
0xac: {  	s25 =	simm.s32 @p4 $0x46500;
	s29 =	simm.s32 @p4 $0x124F80;
	s24 =	simm.s32 @p4 $0x493E0  }
0xad: {  	s30 =	simm.s32 @p4 $0x53FC0;
	s1 =	simm.s32 @p4 $0x64960;
	[smem:$0x7F1] =	sst s0  }
0xae: {  	s31 =	simm.s32 @p4 $0x11940;
	s21 =	simm.s32 @p0 $0x1A9C80;
	s0 =	sld [smem:$0x7F9]  }
0xaf: {  	s20 =	simm.s32 @p0 $0x55F00;
	s22 =	simm.s32 @p0 $0x32C80;
	s19 =	simm.s32 @p0 $0x71480  }
.Ltmp13:
0xb0: {  	s17 =	simm.s32 @p0 $0x1C520;
	s16 =	simm.s32 @p0 $0xCB20;
	(pc) =	sbr.rel .LBB2_16-.Ltmp13, $4  }
0xb1: {  	s23 =	simm.s32 @p0 $0x157C0;
	s18 =	simm.s32 @p0 $0x6A720;
	p1 =	seq.s32 s0, $0x1  }
0xb2: {  	s0 =	sld [smem:$0x7F1];
	s21 =	smov.u32 @p1 s25;
	s20 =	smov.u32 @p1 s28  }
0xb3: {  	s22 =	smov.u32 @p1 s26;
	s19 =	smov.u32 @p1 s29;
	s17 =	smov.u32 @p1 s24  }
0xb4: {  	s16 =	smov.u32 @p1 s30;
	s23 =	smov.u32 @p1 s1;
	s18 =	smov.u32 @p1 s31  }
.LBB2_15:
0xb5: {  	p1 =	sgt.s32 s3, $0x1D  }
0xb6: {  	p5 =	seq.s32 @p1 s3, $0x1E  }
0xb7: {  	p5 =	por !p5, !p1  }
0xb8: {  	p6 =	seq.s32 @!p1 s3, $0x1C;
	s1 =	simm.s32 @!p5 $0x7C060  }
0xb9: {  	s24 =	simm.s32 @!p5 $0x7B0C0;
	s25 =	simm.s32 @!p5 $0x5EBA0;
	s26 =	simm.s32 @!p5 $0x280A0  }
0xba: {  	p6 =	por !p6, p1;
	s28 =	simm.s32 @!p5 $0x1F0180;
	s29 =	simm.s32 @!p5 $0x17AE80  }
0xbb: {  	s30 =	simm.s32 @!p5 $0x1EC300;
	s31 =	simm.s32 @!p5 $0xA0280;
	s18 =	simm.s32 @!p6 $0x3E80  }
0xbc: {  	s16 =	simm.s32 @!p6 $0x54F60;
	s19 =	simm.s32 @!p6 $0x14C080;
	s20 =	simm.s32 @!p6 $0x2EE00  }
0xbd: {  	s21 =	simm.s32 @!p6 $0xFA00;
	s22 =	simm.s32 @!p6 $0x153D80;
	s17 =	simm.s32 @!p6 $0x53020  }
0xbe: {  	s23 =	simm.s32 @!p6 $0xBB80;
	s28 =	simm.s32 @p5 $0x61A80;
	s30 =	simm.s32 @p5 $0xA7F80  }
0xbf: {  	s29 =	simm.s32 @p5 $0x98580;
	s31 =	simm.s32 @p5 $0x2AF80;
	s26 =	simm.s32 @p5 $0xABE0  }
0xc0: {  	s25 =	simm.s32 @p5 $0x26160;
	s24 =	simm.s32 @p5 $0x29FE0;
	s1 =	simm.s32 @p5 $0x186A0  }
0xc1: {  	s21 =	simm.s32 @p6 $0x36B00;
	s20 =	simm.s32 @p6 $0x140500;
	s22 =	simm.s32 @p6 $0x79180  }
0xc2: {  	s19 =	simm.s32 @p6 $0x19E100;
	s17 =	simm.s32 @p6 $0x67840;
	s16 =	simm.s32 @p6 $0x1E460  }
0xc3: {  	s23 =	simm.s32 @p6 $0x50140;
	s19 =	smov.u32 @p1 s31;
	s31 =	sld [smem:$0x7FD]  }
0xc4: {  	s18 =	simm.s32 @p6 $0xDAC0;
	s21 =	smov.u32 @p1 s28;
	s20 =	smov.u32 @p1 s30  }
0xc5: {  	s22 =	smov.u32 @p1 s29;
	s17 =	smov.u32 @p1 s26;
	s16 =	smov.u32 @p1 s25  }
0xc6: {  	s23 =	smov.u32 @p1 s24;
	s18 =	smov.u32 @p1 s1;
	p6 =	seq.s32 s31, $0x1  }
.LBB2_16:
0xc7: {  	[smem:$0x0] =	sst s21  }
0xc8: {  	s18 =	sadd.s32 s2, s18;
	[smem:$0x1] =	sst s20  }
0xc9: {  	s21 =	simm.s32 $0x400;
	s20 =	simm.s32 $0x20;
	[smem:$0x2] =	sst s22  }
0xca: {  	s22 =	sadd.s32 $0x0, s18;
	[smem:$0x3] =	sst s19;
	s19 =	simm.s32 $0x0  }
.LBB2_17:
0xcb: {  	[tilespmem:s19], [sflag:$0x1] =	stream.linear.gather [hbm4b:s22+s4], $0x100, $0x38;
	[tilespmem:$0x1F400] =	vst v63  }
0xcc: {  	s1 =	smov.u32 s20;
	s19 =	smov.u32 s21;
	p1 =	sne.s32 s20, $0xF80  }
.Ltmp14:
0xcd: {  	s20 =	sadd.s32 $0x20, s20;
	(pc) =	sbr.rel @p1 .LBB2_17-.Ltmp14, $2  }
0xce: {  	_ =	sdelay $0x2  }
0xcf: {  	s21 =	sadd.s32 $0x400, s21;
	s22 =	sadd.s32 s1, s18  }
0xd0: {  	[tilespmem:s19], [sflag:$0x1] =	stream.linear.gather [hbm4b:s22+s4], $0x100, $0x38;
	[tilespmem:$0x1F400] =	vst v63  }
0xd1: {  	s18 =	sadd.s32 s2, s23;
	s19 =	simm.s32 $0x100  }
0xd2: {  	s20 =	simm.s32 $0x20;
	s21 =	simm.s32 $0x500;
	s22 =	sadd.s32 $0x0, s18  }
.LBB2_19:
0xd3: {  	[tilespmem:s19], [sflag:$0x2] =	stream.linear.gather [hbm4b:s22+s4], $0x100, $0x38;
	[tilespmem:$0x1F400] =	vst v63  }
0xd4: {  	s1 =	smov.u32 s20;
	s19 =	smov.u32 s21;
	p1 =	sne.s32 s20, $0xF80  }
.Ltmp15:
0xd5: {  	s20 =	sadd.s32 $0x20, s20;
	(pc) =	sbr.rel @p1 .LBB2_19-.Ltmp15, $2  }
0xd6: {  	_ =	sdelay $0x2  }
0xd7: {  	s21 =	sadd.s32 $0x400, s21;
	s22 =	sadd.s32 s1, s18  }
0xd8: {  	[tilespmem:s19], [sflag:$0x2] =	stream.linear.gather [hbm4b:s22+s4], $0x100, $0x38;
	[tilespmem:$0x1F400] =	vst v63  }
0xd9: {  	s16 =	sadd.s32 s2, s16;
	s18 =	simm.s32 $0x200  }
0xda: {  	s19 =	simm.s32 $0x20;
	s20 =	simm.s32 $0x600;
	s21 =	sadd.s32 $0x0, s16  }
.LBB2_21:
0xdb: {  	[tilespmem:s18], [sflag:$0x3] =	stream.linear.gather [hbm4b:s21+s4], $0x100, $0x38;
	[tilespmem:$0x1F400] =	vst v63  }
0xdc: {  	s1 =	smov.u32 s19;
	s18 =	smov.u32 s20;
	p1 =	sne.s32 s19, $0xF80  }
.Ltmp16:
0xdd: {  	s19 =	sadd.s32 $0x20, s19;
	(pc) =	sbr.rel @p1 .LBB2_21-.Ltmp16, $2  }
0xde: {  	_ =	sdelay $0x2  }
0xdf: {  	s20 =	sadd.s32 $0x400, s20;
	s21 =	sadd.s32 s1, s16  }
0xe0: {  	[tilespmem:s18], [sflag:$0x3] =	stream.linear.gather [hbm4b:s21+s4], $0x100, $0x38;
	[tilespmem:$0x1F400] =	vst v63  }
0xe1: {  	s16 =	sadd.s32 s2, s17;
	s17 =	simm.s32 $0x300  }
0xe2: {  	s18 =	simm.s32 $0x20;
	s19 =	simm.s32 $0x700;
	s20 =	sadd.s32 $0x0, s16  }
.LBB2_23:
0xe3: {  	[tilespmem:s17], [sflag:$0x4] =	stream.linear.gather [hbm4b:s20+s4], $0x100, $0x38;
	[tilespmem:$0x1F400] =	vst v63  }
0xe4: {  	s1 =	smov.u32 s18;
	s17 =	smov.u32 s19;
	p1 =	sne.s32 s18, $0xF80  }
.Ltmp17:
0xe5: {  	s18 =	sadd.s32 $0x20, s18;
	(pc) =	sbr.rel @p1 .LBB2_23-.Ltmp17, $2  }
0xe6: {  	_ =	sdelay $0x2  }
0xe7: {  	s19 =	sadd.s32 $0x400, s19;
	s20 =	sadd.s32 s1, s16  }
0xe8: {  	[tilespmem:s17], [sflag:$0x4] =	stream.linear.gather [hbm4b:s20+s4], $0x100, $0x38;
	[tilespmem:$0x1F400] =	vst v63  }
0xe9: {  	_ =	swait.ge [sflag:s10], $0x7D00  }
0xea: {  	s16 =	simm.s32 $0x0;
	s17 =	simm.s32 $0x20;
	[sflag:s10] =	ssyncset.done $0x0  }
0xeb: {  	s19 =	sadd.s32 $0x0, s5;
	s18 =	simm.s32 $0x400;
	[sflag:s10] =	ssyncadd.s32 $0xFFFF8300  }
.LBB2_25:
0xec: {  	[hbm4b:s19+s4] =	stream.linear.scatter [tilespmem:s16], [sflag:$0x5], $0x100, $0x38;
	[tilespmem:$0x1F400] =	vst v63  }
0xed: {  	s1 =	smov.u32 s17;
	s16 =	smov.u32 s18;
	p1 =	sne.s32 s17, $0xF80  }
.Ltmp18:
0xee: {  	s17 =	sadd.s32 $0x20, s17;
	(pc) =	sbr.rel @p1 .LBB2_25-.Ltmp18, $2  }
0xef: {  	_ =	sdelay $0x2  }
0xf0: {  	s18 =	sadd.s32 $0x400, s18;
	s19 =	sadd.s32 s1, s5  }
0xf1: {  	[hbm4b:s19+s4] =	stream.linear.scatter [tilespmem:s16], [sflag:$0x5], $0x100, $0x38;
	[tilespmem:$0x1F400] =	vst v63  }
0xf2: {  	_ =	swait.ge [sflag:s11], $0x7D00  }
0xf3: {  	s16 =	simm.s32 $0x100;
	s17 =	simm.s32 $0x20;
	[sflag:s11] =	ssyncset.done $0x0  }
0xf4: {  	s19 =	sadd.s32 $0x0, s6;
	s18 =	simm.s32 $0x500;
	[sflag:s11] =	ssyncadd.s32 $0xFFFF8300  }
.LBB2_27:
0xf5: {  	[hbm4b:s19+s4] =	stream.linear.scatter [tilespmem:s16], [sflag:$0x5], $0x100, $0x38;
	[tilespmem:$0x1F400] =	vst v63  }
0xf6: {  	s1 =	smov.u32 s17;
	s16 =	smov.u32 s18;
	p1 =	sne.s32 s17, $0xF80  }
.Ltmp19:
0xf7: {  	s17 =	sadd.s32 $0x20, s17;
	(pc) =	sbr.rel @p1 .LBB2_27-.Ltmp19, $2  }
0xf8: {  	_ =	sdelay $0x2  }
0xf9: {  	s18 =	sadd.s32 $0x400, s18;
	s19 =	sadd.s32 s1, s6  }
0xfa: {  	[hbm4b:s19+s4] =	stream.linear.scatter [tilespmem:s16], [sflag:$0x5], $0x100, $0x38;
	[tilespmem:$0x1F400] =	vst v63  }
0xfb: {  	_ =	swait.ge [sflag:s12], $0x7D00  }
0xfc: {  	s16 =	simm.s32 $0x200;
	s17 =	simm.s32 $0x20;
	[sflag:s12] =	ssyncset.done $0x0  }
0xfd: {  	s19 =	sadd.s32 $0x0, s7;
	s18 =	simm.s32 $0x600;
	[sflag:s12] =	ssyncadd.s32 $0xFFFF8300  }
.LBB2_29:
0xfe: {  	[hbm4b:s19+s4] =	stream.linear.scatter [tilespmem:s16], [sflag:$0x5], $0x100, $0x38;
	[tilespmem:$0x1F400] =	vst v63  }
0xff: {  	s1 =	smov.u32 s17;
	s16 =	smov.u32 s18;
	p1 =	sne.s32 s17, $0xF80  }
.Ltmp20:
0x100: {  	s17 =	sadd.s32 $0x20, s17;
	(pc) =	sbr.rel @p1 .LBB2_29-.Ltmp20, $2  }
0x101: {  	_ =	sdelay $0x2  }
0x102: {  	s18 =	sadd.s32 $0x400, s18;
	s19 =	sadd.s32 s1, s7  }
0x103: {  	[hbm4b:s19+s4] =	stream.linear.scatter [tilespmem:s16], [sflag:$0x5], $0x100, $0x38;
	[tilespmem:$0x1F400] =	vst v63  }
0x104: {  	_ =	swait.ge [sflag:s13], $0x7D00  }
0x105: {  	s16 =	simm.s32 $0x300;
	s17 =	simm.s32 $0x20;
	[sflag:s13] =	ssyncset.done $0x0  }
0x106: {  	s19 =	sadd.s32 $0x0, s8;
	s18 =	simm.s32 $0x700;
	[sflag:s13] =	ssyncadd.s32 $0xFFFF8300  }
.LBB2_31:
0x107: {  	[hbm4b:s19+s4] =	stream.linear.scatter [tilespmem:s16], [sflag:$0x5], $0x100, $0x38;
	[tilespmem:$0x1F400] =	vst v63  }
0x108: {  	s1 =	smov.u32 s17;
	s16 =	smov.u32 s18;
	p1 =	sne.s32 s17, $0xF80  }
.Ltmp21:
0x109: {  	s17 =	sadd.s32 $0x20, s17;
	(pc) =	sbr.rel @p1 .LBB2_31-.Ltmp21, $2  }
0x10a: {  	_ =	sdelay $0x2  }
0x10b: {  	s18 =	sadd.s32 $0x400, s18;
	s19 =	sadd.s32 s1, s8  }
0x10c: {  	[hbm4b:s19+s4] =	stream.linear.scatter [tilespmem:s16], [sflag:$0x5], $0x100, $0x38;
	[tilespmem:$0x1F400] =	vst v63  }
0x10d: {  	_ =	swait.ge [sflag:s14], $0x7D00  }
0x10e: {  	[sflag:s14] =	ssyncset.done $0x0  }
0x10f: {  	[sflag:s14] =	ssyncadd.s32 $0xFFFF8300  }
0x110: {  	_ =	swait.ge [sflag:s14], $0x7D00  }
0x111: {  	[sflag:s14] =	ssyncset.done $0x0  }
0x112: {  	s15 =	sadd.s32 $0x1, s15;
	[sflag:s14] =	ssyncadd.s32 $0xFFFF8300  }
0x113: {  	p1 =	sne.s32 s15, s9;
	_ =	swait.ge [sflag:s14], $0x7D00  }
.Ltmp22:
0x114: {  	[sflag:s14] =	ssyncset.done $0x0;
	(pc) =	sbr.rel @p1 .LBB2_1-.Ltmp22, $4  }
0x115: {  	[sflag:s14] =	ssyncadd.s32 $0xFFFF8300  }
0x116: {  	_ =	swait.ge [sflag:s14], $0x7D00  }
0x117: {  	[sflag:s14] =	ssyncset.done $0x0  }
0x118: {  	[sflag:s14] =	ssyncadd.s32 $0xFFFF8300  }
0x119: {  	_ =	sfence.sel $0x180000  }
0x11a: {  	[bflag:$0x0] =	sbarrier.arrive $0xFFFF  }
0x11b: {  	_ =	strace $0x90000047  }
0x11c: {  	[bflag:$0x2] =	sbarrier.arrive $0xFFFF  }
0x11d: {  	p0 =	sne.s32 s0, $0x0;
	s0 =	rddreg [dreg:$0x2]  }
0x11e: {  	s0 =	sadd.s32 @!p0 $0x100000, s0  }
0x11f: {  	[sflag:s0] =	ssyncadd.tile.s32 @!p0 $0x1;
	_ =	shalt  }
.Lfunc_end2:
_tile_overlayer_lowered:
.L_overlay_start_2:
0x120: {  	(tag) =	ssettag $0x2  }
0x121: {  	s0 =	rddreg [dreg:$0x0];
	s2 =	stileid.u32  }
0x122: {  	s1 =	rddreg [dreg:$0x1];
	p0 =	sne.s32 s2, $0x0  }
0x123: {  	s3 =	rddreg [dreg:$0x2];
	[bflag:$0x3] =	sbarrier.arrive $0xFFFF;
	s2 =	simm.s32 @!p0 $0x1C06  }
0x124: {  	[timem:s3], [sflag:s2] =	dma.local @!p0 [hbm:s0], s1  }
0x125: {  	s0 =	simm.s32 @!p0 $0x6  }
0x126: {  	_ =	swait.ge @!p0 [sflag:s0], s1  }
0x127: {  	s1 =	ssub.s32 @!p0 $0x0, s1;
	[sflag:s0] =	ssyncset.done @!p0 $0x0  }
0x128: {  	[sflag:s0] =	ssyncadd.s32 @!p0 s1  }
0x129: {  	[bflag:$0x3] =	sbarrier.arrive $0xFFFF  }
0x12a: {  	_ =	shalt  }

</sc_bundles>
